<compile_context>
chip_gen: v7x
topology: tpu7x:2x2x1
jax: 0.10.2.dev20260603
libtpu: 0.0.44.dev20260713+nightly
codegen_flags: <defaults>
</compile_context>

<pallas_src>
import functools

import jax
import jax.numpy as jnp
from jax import lax
from jax.experimental import pallas as pl
from jax.experimental.pallas import tpu as pltpu
from jax.experimental.pallas import tpu_sc as plsc

NUM_CLASSES = 1000
CONTEXT_LENGTH = 77
EMBED_DIM = 512

_B = NUM_CLASSES * CONTEXT_LENGTH
_C = 40
_NC = 2
_NS = 16
_NW = _NC * _NS
_NCHUNKS = _B // _C
_KMIN = _NCHUNKS // _NW
_EXTRA = _NCHUNKS % _NW
_KMAX = _KMIN + (1 if _EXTRA else 0)
_NBUF = 6
_LOOK = 3
_BPW = _KMAX * _C
_IDX_PAD = _C * (_KMIN * (_NW - 1) + min(_NW - 1, _EXTRA)) + _BPW


def _build_gather(vocab, dim):
    mesh = plsc.VectorSubcoreMesh(
        core_axis_name="c", subcore_axis_name="s",
        num_cores=_NC, num_subcores=_NS,
    )

    @functools.partial(
        pl.kernel,
        out_type=jax.ShapeDtypeStruct((_B, dim), jnp.float32),
        mesh=mesh,
        scratch_types=[
            pltpu.VMEM((_BPW,), jnp.int32),
            pltpu.VMEM((_NBUF, _C, dim), jnp.float32),
            [pltpu.SemaphoreType.DMA] * _NBUF,
            [pltpu.SemaphoreType.DMA] * _NBUF,
        ],
    )
    def gather_kernel(table_hbm, idx_hbm, out_hbm, idx_v, rows_v,
                      gsems, osems):
        wid = lax.axis_index("s") * _NC + lax.axis_index("c")
        base = _C * (_KMIN * wid + jnp.minimum(wid, _EXTRA))
        n_valid = _KMIN + (wid < _EXTRA).astype(jnp.int32)

        pltpu.sync_copy(idx_hbm.at[pl.ds(base, _BPW)], idx_v)

        def gather_desc(k, buf, sem):
            return pltpu.make_async_copy(
                table_hbm.at[idx_v.at[pl.ds(k * _C, _C)]], rows_v.at[buf],
                sem)

        def out_desc(k, buf, sem):
            return pltpu.make_async_copy(
                rows_v.at[buf], out_hbm.at[pl.ds(base + k * _C, _C)], sem)

        for c in range(_LOOK):
            gather_desc(c, c % _NBUF, gsems[c % _NBUF]).start()

        def ring(p, _):
            for b in range(_NBUF):
                k = _NBUF * p + b
                b2 = (b + _LOOK) % _NBUF

                @pl.when(k + _LOOK < n_valid)
                def _():
                    @pl.when(k + _LOOK >= _NBUF)
                    def _():
                        out_desc(k + _LOOK - _NBUF, b2, osems[b2]).wait()
                    gather_desc(k + _LOOK, b2, gsems[b2]).start()

                @pl.when(k < n_valid)
                def _():
                    gather_desc(k, b, gsems[b]).wait()
                    out_desc(k, b, osems[b]).start()

            return 0

        lax.fori_loop(0, (_KMAX + _NBUF - 1) // _NBUF, ring, 0,
                      unroll=False)

        for b in range(_NBUF):
            out_desc(0, b, osems[b]).wait()

    return gather_kernel


_gather = _build_gather(49408, EMBED_DIM)


def kernel(global_tokenized_prompts, token_embedding):
    idx = global_tokenized_prompts.astype(jnp.int32).T.reshape(-1)
    idx = jnp.concatenate(
        [idx, jnp.zeros((_IDX_PAD - _B,), jnp.int32)])
    out = _gather(token_embedding, idx)
    return out.reshape(CONTEXT_LENGTH, NUM_CLASSES, EMBED_DIM).transpose(
        1, 0, 2)

# --- scband reference (transcript-rebuilt; emitter-appended) ---
"""Pipeline reference for scband-prompt-learner-52656299049606 (READ-ONLY COPY).

The authoritative reference and input builder live on the scoring server;
editing this copy changes nothing except your own understanding.
"""

import jax, jax.numpy as jnp
import numpy as np

NUM_CLASSES = 1000
CONTEXT_LENGTH = 77
VOCAB_SIZE = 49408
EMBED_DIM = 512


def setup_inputs(seed: int = 0) -> dict:
    key = jax.random.key(seed)
    k_tok, k_tab = jax.random.split(key)
    global_tokenized_prompts = jax.random.randint(
        k_tok, (NUM_CLASSES, CONTEXT_LENGTH), 0, VOCAB_SIZE, dtype=jnp.int64
        if jax.config.jax_enable_x64 else jnp.int32
    )
    token_embedding = jax.random.normal(
        k_tab, (VOCAB_SIZE, EMBED_DIM), dtype=jnp.float32
    )
    return {
        "global_tokenized_prompts": global_tokenized_prompts,
        "token_embedding": token_embedding,
    }


def reference(global_tokenized_prompts, token_embedding):
    # Faithful translation of PromptLearner:
    #   __init__: embedding = clip_model.token_embedding(global_tokenized_prompts)
    #   forward:  return self.global_embedding
    # i.e. a plain embedding-table gather over the tokenized prompts.
    embedding = jnp.take(token_embedding, global_tokenized_prompts, axis=0)
    return embedding

if __name__ == "__main__":
    import jax
    _d = setup_inputs()
    print(jax.jit(kernel)(*tuple(_d.values())))

</pallas_src>

<mosaic_0001>
#map = affine_map<(d0, d1) -> (0, 0)>
#map1 = affine_map<(d0, d1) -> (0)>
module attributes {stable_mosaic.version = 14 : i64} {
  func.func @gather_kernel(%arg0: i32, %arg1: i32, %arg2: memref<49408x512xf32, #tpu.memory_space<hbm>>, %arg3: memref<77040xi32, #tpu.memory_space<hbm>>, %arg4: memref<77000x512xf32, #tpu.memory_space<hbm>>, %arg5: memref<2440xi32, #tpu.memory_space<vmem>>, %arg6: memref<6x40x512xf32, #tpu.memory_space<vmem>>, %arg7: memref<!tpu.dma_semaphore, #tpu.memory_space<semaphore_mem>>, %arg8: memref<!tpu.dma_semaphore, #tpu.memory_space<semaphore_mem>>, %arg9: memref<!tpu.dma_semaphore, #tpu.memory_space<semaphore_mem>>, %arg10: memref<!tpu.dma_semaphore, #tpu.memory_space<semaphore_mem>>, %arg11: memref<!tpu.dma_semaphore, #tpu.memory_space<semaphore_mem>>, %arg12: memref<!tpu.dma_semaphore, #tpu.memory_space<semaphore_mem>>, %arg13: memref<!tpu.dma_semaphore, #tpu.memory_space<semaphore_mem>>, %arg14: memref<!tpu.dma_semaphore, #tpu.memory_space<semaphore_mem>>, %arg15: memref<!tpu.dma_semaphore, #tpu.memory_space<semaphore_mem>>, %arg16: memref<!tpu.dma_semaphore, #tpu.memory_space<semaphore_mem>>, %arg17: memref<!tpu.dma_semaphore, #tpu.memory_space<semaphore_mem>>, %arg18: memref<!tpu.dma_semaphore, #tpu.memory_space<semaphore_mem>>) attributes {dimension_semantics = [#tpu.dimension_semantics<core_parallel>, #tpu.dimension_semantics<subcore_parallel>], iteration_bounds = array<i64: 2, 16>, scalar_prefetch = 0 : i64, scratch_operands = 14 : i64, tpu.core_type = #tpu.core_type<sc_vector_subcore>, window_params = [{transform_indices = #map}, {transform_indices = #map1}, {transform_indices = #map}]} {
    %mul3A = arith.constant 2 : i32
    %mul3A_0 = arith.muli %arg1, %mul3A : i32
    %add3A = arith.addi %mul3A_0, %arg0 : i32
    %mul3A_1 = arith.constant 60 : i32
    %mul3A_2 = arith.muli %mul3A_1, %add3A : i32
    %min3A = arith.constant 5 : i32
    %min3A_3 = arith.minsi %add3A, %min3A : i32
    %add3A_4 = arith.addi %mul3A_2, %min3A_3 : i32
    %mul3A_5 = arith.constant 40 : i32
    %mul3A_6 = arith.muli %mul3A_5, %add3A_4 : i32
    %lt3A = arith.constant 5 : i32
    %lt3A_7 = arith.cmpi slt, %add3A, %lt3A : i32
    %convert_element_type3A = arith.extui %lt3A_7 : i1 to i32
    %add3A_8 = arith.constant 60 : i32
    %add3A_9 = arith.addi %add3A_8, %convert_element_type3A : i32
    "tpu.region"() ({
      %run_scoped3A = tpu.sem_alloc : memref<!tpu.dma_semaphore, #tpu.memory_space<semaphore_mem>>
      %dma_start3A_134 = tpu.memref_slice %arg3[%mul3A_6] : memref<77040xi32, #tpu.memory_space<hbm>> -> memref<2440xi32, #tpu.memory_space<hbm>>
      %dma_start3A_135 = tpu.memref_slice %arg3[%mul3A_6] : memref<77040xi32, #tpu.memory_space<hbm>> -> memref<2440xi32, #tpu.memory_space<hbm>>
      tpu.enqueue_dma source(%dma_start3A_135 : memref<2440xi32, #tpu.memory_space<hbm>>) target(%arg5 : memref<2440xi32, #tpu.memory_space<vmem>>) target_semaphore(%run_scoped3A : memref<!tpu.dma_semaphore, #tpu.memory_space<semaphore_mem>>)
      %dma_wait3A_136 = tpu.memref_slice %arg3[%mul3A_6] : memref<77040xi32, #tpu.memory_space<hbm>> -> memref<2440xi32, #tpu.memory_space<hbm>>
      %dma_wait3A_137 = tpu.memref_slice %arg3[%mul3A_6] : memref<77040xi32, #tpu.memory_space<hbm>> -> memref<2440xi32, #tpu.memory_space<hbm>>
      tpu.wait_dma2 semaphore(%run_scoped3A : memref<!tpu.dma_semaphore, #tpu.memory_space<semaphore_mem>>) src(%dma_wait3A_137 : memref<2440xi32, #tpu.memory_space<hbm>>) dst(%arg5 : memref<2440xi32, #tpu.memory_space<vmem>>)
      tpu.yield
    }) : () -> ()
    %dma_start3A = arith.constant 0 : i32
    %dma_start3A_10 = arith.constant 0 : i32
    %dma_start3A_11 = arith.constant 0 : i32
    %dma_start3A_12 = tpu.memref_slice %arg6[%dma_start3A, %dma_start3A_10, %dma_start3A_11] : memref<6x40x512xf32, #tpu.memory_space<vmem>> -> memref<1x40x512xf32, #tpu.memory_space<vmem>>
    %dma_start3A_13 = tpu.memref_squeeze %dma_start3A_12 : memref<1x40x512xf32, #tpu.memory_space<vmem>> -> memref<40x512xf32, #tpu.memory_space<vmem>>
    %dma_start3A_14 = arith.constant 0 : i32
    %dma_start3A_15 = tpu.memref_slice %arg5[%dma_start3A_14] : memref<2440xi32, #tpu.memory_space<vmem>> -> memref<40xi32, #tpu.memory_space<vmem>>
    %dma_start3A_16 = arith.constant 0 : i32
    %dma_start3A_17 = arith.constant 0 : i32
    %dma_start3A_18 = tpu.memref_slice %arg2[%dma_start3A_16, %dma_start3A_17] : memref<49408x512xf32, #tpu.memory_space<hbm>> -> memref<49408x512xf32, #tpu.memory_space<hbm>>
    tpu.enqueue_indirect_dma source(%dma_start3A_18 : memref<49408x512xf32, #tpu.memory_space<hbm>>) target(%dma_start3A_13 : memref<40x512xf32, #tpu.memory_space<vmem>>) offsets(%dma_start3A_15 : memref<40xi32, #tpu.memory_space<vmem>>) semaphore(%arg7 : memref<!tpu.dma_semaphore, #tpu.memory_space<semaphore_mem>>)
    %dma_start3A_19 = arith.constant 1 : i32
    %dma_start3A_20 = arith.constant 0 : i32
    %dma_start3A_21 = arith.constant 0 : i32
    %dma_start3A_22 = tpu.memref_slice %arg6[%dma_start3A_19, %dma_start3A_20, %dma_start3A_21] : memref<6x40x512xf32, #tpu.memory_space<vmem>> -> memref<1x40x512xf32, #tpu.memory_space<vmem>>
    %dma_start3A_23 = tpu.memref_squeeze %dma_start3A_22 : memref<1x40x512xf32, #tpu.memory_space<vmem>> -> memref<40x512xf32, #tpu.memory_space<vmem>>
    %dma_start3A_24 = arith.constant 40 : i32
    %dma_start3A_25 = tpu.memref_slice %arg5[%dma_start3A_24] : memref<2440xi32, #tpu.memory_space<vmem>> -> memref<40xi32, #tpu.memory_space<vmem>>
    %dma_start3A_26 = arith.constant 0 : i32
    %dma_start3A_27 = arith.constant 0 : i32
    %dma_start3A_28 = tpu.memref_slice %arg2[%dma_start3A_26, %dma_start3A_27] : memref<49408x512xf32, #tpu.memory_space<hbm>> -> memref<49408x512xf32, #tpu.memory_space<hbm>>
    tpu.enqueue_indirect_dma source(%dma_start3A_28 : memref<49408x512xf32, #tpu.memory_space<hbm>>) target(%dma_start3A_23 : memref<40x512xf32, #tpu.memory_space<vmem>>) offsets(%dma_start3A_25 : memref<40xi32, #tpu.memory_space<vmem>>) semaphore(%arg8 : memref<!tpu.dma_semaphore, #tpu.memory_space<semaphore_mem>>)
    %dma_start3A_29 = arith.constant 2 : i32
    %dma_start3A_30 = arith.constant 0 : i32
    %dma_start3A_31 = arith.constant 0 : i32
    %dma_start3A_32 = tpu.memref_slice %arg6[%dma_start3A_29, %dma_start3A_30, %dma_start3A_31] : memref<6x40x512xf32, #tpu.memory_space<vmem>> -> memref<1x40x512xf32, #tpu.memory_space<vmem>>
    %dma_start3A_33 = tpu.memref_squeeze %dma_start3A_32 : memref<1x40x512xf32, #tpu.memory_space<vmem>> -> memref<40x512xf32, #tpu.memory_space<vmem>>
    %dma_start3A_34 = arith.constant 80 : i32
    %dma_start3A_35 = tpu.memref_slice %arg5[%dma_start3A_34] : memref<2440xi32, #tpu.memory_space<vmem>> -> memref<40xi32, #tpu.memory_space<vmem>>
    %dma_start3A_36 = arith.constant 0 : i32
    %dma_start3A_37 = arith.constant 0 : i32
    %dma_start3A_38 = tpu.memref_slice %arg2[%dma_start3A_36, %dma_start3A_37] : memref<49408x512xf32, #tpu.memory_space<hbm>> -> memref<49408x512xf32, #tpu.memory_space<hbm>>
    tpu.enqueue_indirect_dma source(%dma_start3A_38 : memref<49408x512xf32, #tpu.memory_space<hbm>>) target(%dma_start3A_33 : memref<40x512xf32, #tpu.memory_space<vmem>>) offsets(%dma_start3A_35 : memref<40xi32, #tpu.memory_space<vmem>>) semaphore(%arg9 : memref<!tpu.dma_semaphore, #tpu.memory_space<semaphore_mem>>)
    %scan3A = arith.constant 0 : i32
    %scan3A_39 = arith.constant 0 : i32
    %scan3A_40 = arith.constant 11 : i32
    %scan3A_41 = arith.addi %scan3A_39, %scan3A_40 : i32
    %scan3A_42 = arith.constant 1 : i32
    %scan3A_43 = scf.for %scan3A_134 = %scan3A_39 to %scan3A_41 step %scan3A_42 iter_args(%scan3A_135 = %scan3A) -> (i32)  : i32 {
      %mul3A_136 = arith.constant 6 : i32
      %mul3A_137 = arith.muli %mul3A_136, %scan3A_134 : i32
      %add3A_138 = arith.constant 0 : i32
      %add3A_139 = arith.addi %mul3A_137, %add3A_138 : i32
      %add3A_140 = arith.constant 3 : i32
      %add3A_141 = arith.addi %add3A_139, %add3A_140 : i32
      %lt3A_142 = arith.cmpi slt, %add3A_141, %add3A_9 : i32
      %convert_element_type3A_143 = arith.extui %lt3A_142 : i1 to i32
      %cond3A = arith.constant 0 : i32
      %cond3A_144 = arith.cmpi ne, %convert_element_type3A_143, %cond3A : i32
      scf.if %cond3A_144 {
        %add3A_220 = arith.constant 3 : i32
        %add3A_221 = arith.addi %add3A_139, %add3A_220 : i32
        %ge3A = arith.constant 6 : i32
        %ge3A_222 = arith.cmpi sge, %add3A_221, %ge3A : i32
        %convert_element_type3A_223 = arith.extui %ge3A_222 : i1 to i32
        %cond3A_224 = arith.constant 0 : i32
        %cond3A_225 = arith.cmpi ne, %convert_element_type3A_223, %cond3A_224 : i32
        scf.if %cond3A_225 {
          %add3A_239 = arith.constant 3 : i32
          %add3A_240 = arith.addi %add3A_139, %add3A_239 : i32
          %sub3A = arith.constant 6 : i32
          %sub3A_241 = arith.subi %add3A_240, %sub3A : i32
          %mul3A_242 = arith.constant 40 : i32
          %mul3A_243 = arith.muli %sub3A_241, %mul3A_242 : i32
          %add3A_244 = arith.addi %mul3A_6, %mul3A_243 : i32
          %dma_wait3A_245 = arith.constant 3 : i32
          %dma_wait3A_246 = arith.constant 0 : i32
          %dma_wait3A_247 = arith.constant 0 : i32
          %dma_wait3A_248 = tpu.memref_slice %arg6[%dma_wait3A_245, %dma_wait3A_246, %dma_wait3A_247] : memref<6x40x512xf32, #tpu.memory_space<vmem>> -> memref<1x40x512xf32, #tpu.memory_space<vmem>>
          %dma_wait3A_249 = tpu.memref_squeeze %dma_wait3A_248 : memref<1x40x512xf32, #tpu.memory_space<vmem>> -> memref<40x512xf32, #tpu.memory_space<vmem>>
          %dma_wait3A_250 = arith.constant 0 : i32
          %dma_wait3A_251 = tpu.memref_slice %arg4[%add3A_244, %dma_wait3A_250] : memref<77000x512xf32, #tpu.memory_space<hbm>> -> memref<40x512xf32, #tpu.memory_space<hbm>>
          %dma_wait3A_252 = arith.constant 0 : i32
          %dma_wait3A_253 = tpu.memref_slice %arg4[%add3A_244, %dma_wait3A_252] : memref<77000x512xf32, #tpu.memory_space<hbm>> -> memref<40x512xf32, #tpu.memory_space<hbm>>
          %dma_wait3A_254 = arith.constant 0 : i32
          %dma_wait3A_255 = arith.constant 0 : i32
          %dma_wait3A_256 = tpu.memref_slice %arg6[%dma_wait3A_245, %dma_wait3A_254, %dma_wait3A_255] : memref<6x40x512xf32, #tpu.memory_space<vmem>> -> memref<1x40x512xf32, #tpu.memory_space<vmem>>
          %dma_wait3A_257 = tpu.memref_squeeze %dma_wait3A_256 : memref<1x40x512xf32, #tpu.memory_space<vmem>> -> memref<40x512xf32, #tpu.memory_space<vmem>>
          tpu.wait_dma2 semaphore(%arg16 : memref<!tpu.dma_semaphore, #tpu.memory_space<semaphore_mem>>) src(%dma_wait3A_257 : memref<40x512xf32, #tpu.memory_space<vmem>>) dst(%dma_wait3A_253 : memref<40x512xf32, #tpu.memory_space<hbm>>)
        } else {
        }
        %add3A_226 = arith.constant 3 : i32
        %add3A_227 = arith.addi %add3A_139, %add3A_226 : i32
        %mul3A_228 = arith.constant 40 : i32
        %mul3A_229 = arith.muli %add3A_227, %mul3A_228 : i32
        %dma_start3A_230 = arith.constant 3 : i32
        %dma_start3A_231 = arith.constant 0 : i32
        %dma_start3A_232 = arith.constant 0 : i32
        %dma_start3A_233 = tpu.memref_slice %arg6[%dma_start3A_230, %dma_start3A_231, %dma_start3A_232] : memref<6x40x512xf32, #tpu.memory_space<vmem>> -> memref<1x40x512xf32, #tpu.memory_space<vmem>>
        %dma_start3A_234 = tpu.memref_squeeze %dma_start3A_233 : memref<1x40x512xf32, #tpu.memory_space<vmem>> -> memref<40x512xf32, #tpu.memory_space<vmem>>
        %dma_start3A_235 = tpu.memref_slice %arg5[%mul3A_229] : memref<2440xi32, #tpu.memory_space<vmem>> -> memref<40xi32, #tpu.memory_space<vmem>>
        %dma_start3A_236 = arith.constant 0 : i32
        %dma_start3A_237 = arith.constant 0 : i32
        %dma_start3A_238 = tpu.memref_slice %arg2[%dma_start3A_236, %dma_start3A_237] : memref<49408x512xf32, #tpu.memory_space<hbm>> -> memref<49408x512xf32, #tpu.memory_space<hbm>>
        tpu.enqueue_indirect_dma source(%dma_start3A_238 : memref<49408x512xf32, #tpu.memory_space<hbm>>) target(%dma_start3A_234 : memref<40x512xf32, #tpu.memory_space<vmem>>) offsets(%dma_start3A_235 : memref<40xi32, #tpu.memory_space<vmem>>) semaphore(%arg10 : memref<!tpu.dma_semaphore, #tpu.memory_space<semaphore_mem>>)
      } else {
      }
      %lt3A_145 = arith.cmpi slt, %add3A_139, %add3A_9 : i32
      %convert_element_type3A_146 = arith.extui %lt3A_145 : i1 to i32
      %cond3A_147 = arith.constant 0 : i32
      %cond3A_148 = arith.cmpi ne, %convert_element_type3A_146, %cond3A_147 : i32
      scf.if %cond3A_148 {
        %mul3A_220 = arith.constant 40 : i32
        %mul3A_221 = arith.muli %add3A_139, %mul3A_220 : i32
        %dma_wait3A_222 = arith.constant 0 : i32
        %dma_wait3A_223 = arith.constant 0 : i32
        %dma_wait3A_224 = arith.constant 0 : i32
        %dma_wait3A_225 = tpu.memref_slice %arg6[%dma_wait3A_222, %dma_wait3A_223, %dma_wait3A_224] : memref<6x40x512xf32, #tpu.memory_space<vmem>> -> memref<1x40x512xf32, #tpu.memory_space<vmem>>
        %dma_wait3A_226 = tpu.memref_squeeze %dma_wait3A_225 : memref<1x40x512xf32, #tpu.memory_space<vmem>> -> memref<40x512xf32, #tpu.memory_space<vmem>>
        %dma_wait3A_227 = tpu.memref_slice %arg5[%mul3A_221] : memref<2440xi32, #tpu.memory_space<vmem>> -> memref<40xi32, #tpu.memory_space<vmem>>
        %dma_wait3A_228 = arith.constant 0 : i32
        %dma_wait3A_229 = arith.constant 0 : i32
        %dma_wait3A_230 = tpu.memref_slice %arg2[%dma_wait3A_228, %dma_wait3A_229] : memref<49408x512xf32, #tpu.memory_space<hbm>> -> memref<49408x512xf32, #tpu.memory_space<hbm>>
        tpu.wait_indirect_dma semaphore(%arg7 : memref<!tpu.dma_semaphore, #tpu.memory_space<semaphore_mem>>) src(%dma_wait3A_230 : memref<49408x512xf32, #tpu.memory_space<hbm>>) dst(%dma_wait3A_226 : memref<40x512xf32, #tpu.memory_space<vmem>>)
        %mul3A_231 = arith.constant 40 : i32
        %mul3A_232 = arith.muli %add3A_139, %mul3A_231 : i32
        %add3A_233 = arith.addi %mul3A_6, %mul3A_232 : i32
        %dma_start3A_234 = arith.constant 0 : i32
        %dma_start3A_235 = arith.constant 0 : i32
        %dma_start3A_236 = arith.constant 0 : i32
        %dma_start3A_237 = tpu.memref_slice %arg6[%dma_start3A_234, %dma_start3A_235, %dma_start3A_236] : memref<6x40x512xf32, #tpu.memory_space<vmem>> -> memref<1x40x512xf32, #tpu.memory_space<vmem>>
        %dma_start3A_238 = tpu.memref_squeeze %dma_start3A_237 : memref<1x40x512xf32, #tpu.memory_space<vmem>> -> memref<40x512xf32, #tpu.memory_space<vmem>>
        %dma_start3A_239 = arith.constant 0 : i32
        %dma_start3A_240 = tpu.memref_slice %arg4[%add3A_233, %dma_start3A_239] : memref<77000x512xf32, #tpu.memory_space<hbm>> -> memref<40x512xf32, #tpu.memory_space<hbm>>
        %dma_start3A_241 = arith.constant 0 : i32
        %dma_start3A_242 = tpu.memref_slice %arg4[%add3A_233, %dma_start3A_241] : memref<77000x512xf32, #tpu.memory_space<hbm>> -> memref<40x512xf32, #tpu.memory_space<hbm>>
        %dma_start3A_243 = arith.constant 0 : i32
        %dma_start3A_244 = arith.constant 0 : i32
        %dma_start3A_245 = tpu.memref_slice %arg6[%dma_start3A_234, %dma_start3A_243, %dma_start3A_244] : memref<6x40x512xf32, #tpu.memory_space<vmem>> -> memref<1x40x512xf32, #tpu.memory_space<vmem>>
        %dma_start3A_246 = tpu.memref_squeeze %dma_start3A_245 : memref<1x40x512xf32, #tpu.memory_space<vmem>> -> memref<40x512xf32, #tpu.memory_space<vmem>>
        tpu.enqueue_dma source(%dma_start3A_246 : memref<40x512xf32, #tpu.memory_space<vmem>>) target(%dma_start3A_242 : memref<40x512xf32, #tpu.memory_space<hbm>>) target_semaphore(%arg13 : memref<!tpu.dma_semaphore, #tpu.memory_space<semaphore_mem>>)
      } else {
      }
      %mul3A_149 = arith.constant 6 : i32
      %mul3A_150 = arith.muli %mul3A_149, %scan3A_134 : i32
      %add3A_151 = arith.constant 1 : i32
      %add3A_152 = arith.addi %mul3A_150, %add3A_151 : i32
      %add3A_153 = arith.constant 3 : i32
      %add3A_154 = arith.addi %add3A_152, %add3A_153 : i32
      %lt3A_155 = arith.cmpi slt, %add3A_154, %add3A_9 : i32
      %convert_element_type3A_156 = arith.extui %lt3A_155 : i1 to i32
      %cond3A_157 = arith.constant 0 : i32
      %cond3A_158 = arith.cmpi ne, %convert_element_type3A_156, %cond3A_157 : i32
      scf.if %cond3A_158 {
        %add3A_220 = arith.constant 3 : i32
        %add3A_221 = arith.addi %add3A_152, %add3A_220 : i32
        %ge3A = arith.constant 6 : i32
        %ge3A_222 = arith.cmpi sge, %add3A_221, %ge3A : i32
        %convert_element_type3A_223 = arith.extui %ge3A_222 : i1 to i32
        %cond3A_224 = arith.constant 0 : i32
        %cond3A_225 = arith.cmpi ne, %convert_element_type3A_223, %cond3A_224 : i32
        scf.if %cond3A_225 {
          %add3A_239 = arith.constant 3 : i32
          %add3A_240 = arith.addi %add3A_152, %add3A_239 : i32
          %sub3A = arith.constant 6 : i32
          %sub3A_241 = arith.subi %add3A_240, %sub3A : i32
          %mul3A_242 = arith.constant 40 : i32
          %mul3A_243 = arith.muli %sub3A_241, %mul3A_242 : i32
          %add3A_244 = arith.addi %mul3A_6, %mul3A_243 : i32
          %dma_wait3A_245 = arith.constant 4 : i32
          %dma_wait3A_246 = arith.constant 0 : i32
          %dma_wait3A_247 = arith.constant 0 : i32
          %dma_wait3A_248 = tpu.memref_slice %arg6[%dma_wait3A_245, %dma_wait3A_246, %dma_wait3A_247] : memref<6x40x512xf32, #tpu.memory_space<vmem>> -> memref<1x40x512xf32, #tpu.memory_space<vmem>>
          %dma_wait3A_249 = tpu.memref_squeeze %dma_wait3A_248 : memref<1x40x512xf32, #tpu.memory_space<vmem>> -> memref<40x512xf32, #tpu.memory_space<vmem>>
          %dma_wait3A_250 = arith.constant 0 : i32
          %dma_wait3A_251 = tpu.memref_slice %arg4[%add3A_244, %dma_wait3A_250] : memref<77000x512xf32, #tpu.memory_space<hbm>> -> memref<40x512xf32, #tpu.memory_space<hbm>>
          %dma_wait3A_252 = arith.constant 0 : i32
          %dma_wait3A_253 = tpu.memref_slice %arg4[%add3A_244, %dma_wait3A_252] : memref<77000x512xf32, #tpu.memory_space<hbm>> -> memref<40x512xf32, #tpu.memory_space<hbm>>
          %dma_wait3A_254 = arith.constant 0 : i32
          %dma_wait3A_255 = arith.constant 0 : i32
          %dma_wait3A_256 = tpu.memref_slice %arg6[%dma_wait3A_245, %dma_wait3A_254, %dma_wait3A_255] : memref<6x40x512xf32, #tpu.memory_space<vmem>> -> memref<1x40x512xf32, #tpu.memory_space<vmem>>
          %dma_wait3A_257 = tpu.memref_squeeze %dma_wait3A_256 : memref<1x40x512xf32, #tpu.memory_space<vmem>> -> memref<40x512xf32, #tpu.memory_space<vmem>>
          tpu.wait_dma2 semaphore(%arg17 : memref<!tpu.dma_semaphore, #tpu.memory_space<semaphore_mem>>) src(%dma_wait3A_257 : memref<40x512xf32, #tpu.memory_space<vmem>>) dst(%dma_wait3A_253 : memref<40x512xf32, #tpu.memory_space<hbm>>)
        } else {
        }
        %add3A_226 = arith.constant 3 : i32
        %add3A_227 = arith.addi %add3A_152, %add3A_226 : i32
        %mul3A_228 = arith.constant 40 : i32
        %mul3A_229 = arith.muli %add3A_227, %mul3A_228 : i32
        %dma_start3A_230 = arith.constant 4 : i32
        %dma_start3A_231 = arith.constant 0 : i32
        %dma_start3A_232 = arith.constant 0 : i32
        %dma_start3A_233 = tpu.memref_slice %arg6[%dma_start3A_230, %dma_start3A_231, %dma_start3A_232] : memref<6x40x512xf32, #tpu.memory_space<vmem>> -> memref<1x40x512xf32, #tpu.memory_space<vmem>>
        %dma_start3A_234 = tpu.memref_squeeze %dma_start3A_233 : memref<1x40x512xf32, #tpu.memory_space<vmem>> -> memref<40x512xf32, #tpu.memory_space<vmem>>
        %dma_start3A_235 = tpu.memref_slice %arg5[%mul3A_229] : memref<2440xi32, #tpu.memory_space<vmem>> -> memref<40xi32, #tpu.memory_space<vmem>>
        %dma_start3A_236 = arith.constant 0 : i32
        %dma_start3A_237 = arith.constant 0 : i32
        %dma_start3A_238 = tpu.memref_slice %arg2[%dma_start3A_236, %dma_start3A_237] : memref<49408x512xf32, #tpu.memory_space<hbm>> -> memref<49408x512xf32, #tpu.memory_space<hbm>>
        tpu.enqueue_indirect_dma source(%dma_start3A_238 : memref<49408x512xf32, #tpu.memory_space<hbm>>) target(%dma_start3A_234 : memref<40x512xf32, #tpu.memory_space<vmem>>) offsets(%dma_start3A_235 : memref<40xi32, #tpu.memory_space<vmem>>) semaphore(%arg11 : memref<!tpu.dma_semaphore, #tpu.memory_space<semaphore_mem>>)
      } else {
      }
      %lt3A_159 = arith.cmpi slt, %add3A_152, %add3A_9 : i32
      %convert_element_type3A_160 = arith.extui %lt3A_159 : i1 to i32
      %cond3A_161 = arith.constant 0 : i32
      %cond3A_162 = arith.cmpi ne, %convert_element_type3A_160, %cond3A_161 : i32
      scf.if %cond3A_162 {
        %mul3A_220 = arith.constant 40 : i32
        %mul3A_221 = arith.muli %add3A_152, %mul3A_220 : i32
        %dma_wait3A_222 = arith.constant 1 : i32
        %dma_wait3A_223 = arith.constant 0 : i32
        %dma_wait3A_224 = arith.constant 0 : i32
        %dma_wait3A_225 = tpu.memref_slice %arg6[%dma_wait3A_222, %dma_wait3A_223, %dma_wait3A_224] : memref<6x40x512xf32, #tpu.memory_space<vmem>> -> memref<1x40x512xf32, #tpu.memory_space<vmem>>
        %dma_wait3A_226 = tpu.memref_squeeze %dma_wait3A_225 : memref<1x40x512xf32, #tpu.memory_space<vmem>> -> memref<40x512xf32, #tpu.memory_space<vmem>>
        %dma_wait3A_227 = tpu.memref_slice %arg5[%mul3A_221] : memref<2440xi32, #tpu.memory_space<vmem>> -> memref<40xi32, #tpu.memory_space<vmem>>
        %dma_wait3A_228 = arith.constant 0 : i32
        %dma_wait3A_229 = arith.constant 0 : i32
        %dma_wait3A_230 = tpu.memref_slice %arg2[%dma_wait3A_228, %dma_wait3A_229] : memref<49408x512xf32, #tpu.memory_space<hbm>> -> memref<49408x512xf32, #tpu.memory_space<hbm>>
        tpu.wait_indirect_dma semaphore(%arg8 : memref<!tpu.dma_semaphore, #tpu.memory_space<semaphore_mem>>) src(%dma_wait3A_230 : memref<49408x512xf32, #tpu.memory_space<hbm>>) dst(%dma_wait3A_226 : memref<40x512xf32, #tpu.memory_space<vmem>>)
        %mul3A_231 = arith.constant 40 : i32
        %mul3A_232 = arith.muli %add3A_152, %mul3A_231 : i32
        %add3A_233 = arith.addi %mul3A_6, %mul3A_232 : i32
        %dma_start3A_234 = arith.constant 1 : i32
        %dma_start3A_235 = arith.constant 0 : i32
        %dma_start3A_236 = arith.constant 0 : i32
        %dma_start3A_237 = tpu.memref_slice %arg6[%dma_start3A_234, %dma_start3A_235, %dma_start3A_236] : memref<6x40x512xf32, #tpu.memory_space<vmem>> -> memref<1x40x512xf32, #tpu.memory_space<vmem>>
        %dma_start3A_238 = tpu.memref_squeeze %dma_start3A_237 : memref<1x40x512xf32, #tpu.memory_space<vmem>> -> memref<40x512xf32, #tpu.memory_space<vmem>>
        %dma_start3A_239 = arith.constant 0 : i32
        %dma_start3A_240 = tpu.memref_slice %arg4[%add3A_233, %dma_start3A_239] : memref<77000x512xf32, #tpu.memory_space<hbm>> -> memref<40x512xf32, #tpu.memory_space<hbm>>
        %dma_start3A_241 = arith.constant 0 : i32
        %dma_start3A_242 = tpu.memref_slice %arg4[%add3A_233, %dma_start3A_241] : memref<77000x512xf32, #tpu.memory_space<hbm>> -> memref<40x512xf32, #tpu.memory_space<hbm>>
        %dma_start3A_243 = arith.constant 0 : i32
        %dma_start3A_244 = arith.constant 0 : i32
        %dma_start3A_245 = tpu.memref_slice %arg6[%dma_start3A_234, %dma_start3A_243, %dma_start3A_244] : memref<6x40x512xf32, #tpu.memory_space<vmem>> -> memref<1x40x512xf32, #tpu.memory_space<vmem>>
        %dma_start3A_246 = tpu.memref_squeeze %dma_start3A_245 : memref<1x40x512xf32, #tpu.memory_space<vmem>> -> memref<40x512xf32, #tpu.memory_space<vmem>>
        tpu.enqueue_dma source(%dma_start3A_246 : memref<40x512xf32, #tpu.memory_space<vmem>>) target(%dma_start3A_242 : memref<40x512xf32, #tpu.memory_space<hbm>>) target_semaphore(%arg14 : memref<!tpu.dma_semaphore, #tpu.memory_space<semaphore_mem>>)
      } else {
      }
      %mul3A_163 = arith.constant 6 : i32
      %mul3A_164 = arith.muli %mul3A_163, %scan3A_134 : i32
      %add3A_165 = arith.constant 2 : i32
      %add3A_166 = arith.addi %mul3A_164, %add3A_165 : i32
      %add3A_167 = arith.constant 3 : i32
      %add3A_168 = arith.addi %add3A_166, %add3A_167 : i32
      %lt3A_169 = arith.cmpi slt, %add3A_168, %add3A_9 : i32
      %convert_element_type3A_170 = arith.extui %lt3A_169 : i1 to i32
      %cond3A_171 = arith.constant 0 : i32
      %cond3A_172 = arith.cmpi ne, %convert_element_type3A_170, %cond3A_171 : i32
      scf.if %cond3A_172 {
        %add3A_220 = arith.constant 3 : i32
        %add3A_221 = arith.addi %add3A_166, %add3A_220 : i32
        %ge3A = arith.constant 6 : i32
        %ge3A_222 = arith.cmpi sge, %add3A_221, %ge3A : i32
        %convert_element_type3A_223 = arith.extui %ge3A_222 : i1 to i32
        %cond3A_224 = arith.constant 0 : i32
        %cond3A_225 = arith.cmpi ne, %convert_element_type3A_223, %cond3A_224 : i32
        scf.if %cond3A_225 {
          %add3A_239 = arith.constant 3 : i32
          %add3A_240 = arith.addi %add3A_166, %add3A_239 : i32
          %sub3A = arith.constant 6 : i32
          %sub3A_241 = arith.subi %add3A_240, %sub3A : i32
          %mul3A_242 = arith.constant 40 : i32
          %mul3A_243 = arith.muli %sub3A_241, %mul3A_242 : i32
          %add3A_244 = arith.addi %mul3A_6, %mul3A_243 : i32
          %dma_wait3A_245 = arith.constant 5 : i32
          %dma_wait3A_246 = arith.constant 0 : i32
          %dma_wait3A_247 = arith.constant 0 : i32
          %dma_wait3A_248 = tpu.memref_slice %arg6[%dma_wait3A_245, %dma_wait3A_246, %dma_wait3A_247] : memref<6x40x512xf32, #tpu.memory_space<vmem>> -> memref<1x40x512xf32, #tpu.memory_space<vmem>>
          %dma_wait3A_249 = tpu.memref_squeeze %dma_wait3A_248 : memref<1x40x512xf32, #tpu.memory_space<vmem>> -> memref<40x512xf32, #tpu.memory_space<vmem>>
          %dma_wait3A_250 = arith.constant 0 : i32
          %dma_wait3A_251 = tpu.memref_slice %arg4[%add3A_244, %dma_wait3A_250] : memref<77000x512xf32, #tpu.memory_space<hbm>> -> memref<40x512xf32, #tpu.memory_space<hbm>>
          %dma_wait3A_252 = arith.constant 0 : i32
          %dma_wait3A_253 = tpu.memref_slice %arg4[%add3A_244, %dma_wait3A_252] : memref<77000x512xf32, #tpu.memory_space<hbm>> -> memref<40x512xf32, #tpu.memory_space<hbm>>
          %dma_wait3A_254 = arith.constant 0 : i32
          %dma_wait3A_255 = arith.constant 0 : i32
          %dma_wait3A_256 = tpu.memref_slice %arg6[%dma_wait3A_245, %dma_wait3A_254, %dma_wait3A_255] : memref<6x40x512xf32, #tpu.memory_space<vmem>> -> memref<1x40x512xf32, #tpu.memory_space<vmem>>
          %dma_wait3A_257 = tpu.memref_squeeze %dma_wait3A_256 : memref<1x40x512xf32, #tpu.memory_space<vmem>> -> memref<40x512xf32, #tpu.memory_space<vmem>>
          tpu.wait_dma2 semaphore(%arg18 : memref<!tpu.dma_semaphore, #tpu.memory_space<semaphore_mem>>) src(%dma_wait3A_257 : memref<40x512xf32, #tpu.memory_space<vmem>>) dst(%dma_wait3A_253 : memref<40x512xf32, #tpu.memory_space<hbm>>)
        } else {
        }
        %add3A_226 = arith.constant 3 : i32
        %add3A_227 = arith.addi %add3A_166, %add3A_226 : i32
        %mul3A_228 = arith.constant 40 : i32
        %mul3A_229 = arith.muli %add3A_227, %mul3A_228 : i32
        %dma_start3A_230 = arith.constant 5 : i32
        %dma_start3A_231 = arith.constant 0 : i32
        %dma_start3A_232 = arith.constant 0 : i32
        %dma_start3A_233 = tpu.memref_slice %arg6[%dma_start3A_230, %dma_start3A_231, %dma_start3A_232] : memref<6x40x512xf32, #tpu.memory_space<vmem>> -> memref<1x40x512xf32, #tpu.memory_space<vmem>>
        %dma_start3A_234 = tpu.memref_squeeze %dma_start3A_233 : memref<1x40x512xf32, #tpu.memory_space<vmem>> -> memref<40x512xf32, #tpu.memory_space<vmem>>
        %dma_start3A_235 = tpu.memref_slice %arg5[%mul3A_229] : memref<2440xi32, #tpu.memory_space<vmem>> -> memref<40xi32, #tpu.memory_space<vmem>>
        %dma_start3A_236 = arith.constant 0 : i32
        %dma_start3A_237 = arith.constant 0 : i32
        %dma_start3A_238 = tpu.memref_slice %arg2[%dma_start3A_236, %dma_start3A_237] : memref<49408x512xf32, #tpu.memory_space<hbm>> -> memref<49408x512xf32, #tpu.memory_space<hbm>>
        tpu.enqueue_indirect_dma source(%dma_start3A_238 : memref<49408x512xf32, #tpu.memory_space<hbm>>) target(%dma_start3A_234 : memref<40x512xf32, #tpu.memory_space<vmem>>) offsets(%dma_start3A_235 : memref<40xi32, #tpu.memory_space<vmem>>) semaphore(%arg12 : memref<!tpu.dma_semaphore, #tpu.memory_space<semaphore_mem>>)
      } else {
      }
      %lt3A_173 = arith.cmpi slt, %add3A_166, %add3A_9 : i32
      %convert_element_type3A_174 = arith.extui %lt3A_173 : i1 to i32
      %cond3A_175 = arith.constant 0 : i32
      %cond3A_176 = arith.cmpi ne, %convert_element_type3A_174, %cond3A_175 : i32
      scf.if %cond3A_176 {
        %mul3A_220 = arith.constant 40 : i32
        %mul3A_221 = arith.muli %add3A_166, %mul3A_220 : i32
        %dma_wait3A_222 = arith.constant 2 : i32
        %dma_wait3A_223 = arith.constant 0 : i32
        %dma_wait3A_224 = arith.constant 0 : i32
        %dma_wait3A_225 = tpu.memref_slice %arg6[%dma_wait3A_222, %dma_wait3A_223, %dma_wait3A_224] : memref<6x40x512xf32, #tpu.memory_space<vmem>> -> memref<1x40x512xf32, #tpu.memory_space<vmem>>
        %dma_wait3A_226 = tpu.memref_squeeze %dma_wait3A_225 : memref<1x40x512xf32, #tpu.memory_space<vmem>> -> memref<40x512xf32, #tpu.memory_space<vmem>>
        %dma_wait3A_227 = tpu.memref_slice %arg5[%mul3A_221] : memref<2440xi32, #tpu.memory_space<vmem>> -> memref<40xi32, #tpu.memory_space<vmem>>
        %dma_wait3A_228 = arith.constant 0 : i32
        %dma_wait3A_229 = arith.constant 0 : i32
        %dma_wait3A_230 = tpu.memref_slice %arg2[%dma_wait3A_228, %dma_wait3A_229] : memref<49408x512xf32, #tpu.memory_space<hbm>> -> memref<49408x512xf32, #tpu.memory_space<hbm>>
        tpu.wait_indirect_dma semaphore(%arg9 : memref<!tpu.dma_semaphore, #tpu.memory_space<semaphore_mem>>) src(%dma_wait3A_230 : memref<49408x512xf32, #tpu.memory_space<hbm>>) dst(%dma_wait3A_226 : memref<40x512xf32, #tpu.memory_space<vmem>>)
        %mul3A_231 = arith.constant 40 : i32
        %mul3A_232 = arith.muli %add3A_166, %mul3A_231 : i32
        %add3A_233 = arith.addi %mul3A_6, %mul3A_232 : i32
        %dma_start3A_234 = arith.constant 2 : i32
        %dma_start3A_235 = arith.constant 0 : i32
        %dma_start3A_236 = arith.constant 0 : i32
        %dma_start3A_237 = tpu.memref_slice %arg6[%dma_start3A_234, %dma_start3A_235, %dma_start3A_236] : memref<6x40x512xf32, #tpu.memory_space<vmem>> -> memref<1x40x512xf32, #tpu.memory_space<vmem>>
        %dma_start3A_238 = tpu.memref_squeeze %dma_start3A_237 : memref<1x40x512xf32, #tpu.memory_space<vmem>> -> memref<40x512xf32, #tpu.memory_space<vmem>>
        %dma_start3A_239 = arith.constant 0 : i32
        %dma_start3A_240 = tpu.memref_slice %arg4[%add3A_233, %dma_start3A_239] : memref<77000x512xf32, #tpu.memory_space<hbm>> -> memref<40x512xf32, #tpu.memory_space<hbm>>
        %dma_start3A_241 = arith.constant 0 : i32
        %dma_start3A_242 = tpu.memref_slice %arg4[%add3A_233, %dma_start3A_241] : memref<77000x512xf32, #tpu.memory_space<hbm>> -> memref<40x512xf32, #tpu.memory_space<hbm>>
        %dma_start3A_243 = arith.constant 0 : i32
        %dma_start3A_244 = arith.constant 0 : i32
        %dma_start3A_245 = tpu.memref_slice %arg6[%dma_start3A_234, %dma_start3A_243, %dma_start3A_244] : memref<6x40x512xf32, #tpu.memory_space<vmem>> -> memref<1x40x512xf32, #tpu.memory_space<vmem>>
        %dma_start3A_246 = tpu.memref_squeeze %dma_start3A_245 : memref<1x40x512xf32, #tpu.memory_space<vmem>> -> memref<40x512xf32, #tpu.memory_space<vmem>>
        tpu.enqueue_dma source(%dma_start3A_246 : memref<40x512xf32, #tpu.memory_space<vmem>>) target(%dma_start3A_242 : memref<40x512xf32, #tpu.memory_space<hbm>>) target_semaphore(%arg15 : memref<!tpu.dma_semaphore, #tpu.memory_space<semaphore_mem>>)
      } else {
      }
      %mul3A_177 = arith.constant 6 : i32
      %mul3A_178 = arith.muli %mul3A_177, %scan3A_134 : i32
      %add3A_179 = arith.constant 3 : i32
      %add3A_180 = arith.addi %mul3A_178, %add3A_179 : i32
      %add3A_181 = arith.constant 3 : i32
      %add3A_182 = arith.addi %add3A_180, %add3A_181 : i32
      %lt3A_183 = arith.cmpi slt, %add3A_182, %add3A_9 : i32
      %convert_element_type3A_184 = arith.extui %lt3A_183 : i1 to i32
      %cond3A_185 = arith.constant 0 : i32
      %cond3A_186 = arith.cmpi ne, %convert_element_type3A_184, %cond3A_185 : i32
      scf.if %cond3A_186 {
        %add3A_220 = arith.constant 3 : i32
        %add3A_221 = arith.addi %add3A_180, %add3A_220 : i32
        %ge3A = arith.constant 6 : i32
        %ge3A_222 = arith.cmpi sge, %add3A_221, %ge3A : i32
        %convert_element_type3A_223 = arith.extui %ge3A_222 : i1 to i32
        %cond3A_224 = arith.constant 0 : i32
        %cond3A_225 = arith.cmpi ne, %convert_element_type3A_223, %cond3A_224 : i32
        scf.if %cond3A_225 {
          %add3A_239 = arith.constant 3 : i32
          %add3A_240 = arith.addi %add3A_180, %add3A_239 : i32
          %sub3A = arith.constant 6 : i32
          %sub3A_241 = arith.subi %add3A_240, %sub3A : i32
          %mul3A_242 = arith.constant 40 : i32
          %mul3A_243 = arith.muli %sub3A_241, %mul3A_242 : i32
          %add3A_244 = arith.addi %mul3A_6, %mul3A_243 : i32
          %dma_wait3A_245 = arith.constant 0 : i32
          %dma_wait3A_246 = arith.constant 0 : i32
          %dma_wait3A_247 = arith.constant 0 : i32
          %dma_wait3A_248 = tpu.memref_slice %arg6[%dma_wait3A_245, %dma_wait3A_246, %dma_wait3A_247] : memref<6x40x512xf32, #tpu.memory_space<vmem>> -> memref<1x40x512xf32, #tpu.memory_space<vmem>>
          %dma_wait3A_249 = tpu.memref_squeeze %dma_wait3A_248 : memref<1x40x512xf32, #tpu.memory_space<vmem>> -> memref<40x512xf32, #tpu.memory_space<vmem>>
          %dma_wait3A_250 = arith.constant 0 : i32
          %dma_wait3A_251 = tpu.memref_slice %arg4[%add3A_244, %dma_wait3A_250] : memref<77000x512xf32, #tpu.memory_space<hbm>> -> memref<40x512xf32, #tpu.memory_space<hbm>>
          %dma_wait3A_252 = arith.constant 0 : i32
          %dma_wait3A_253 = tpu.memref_slice %arg4[%add3A_244, %dma_wait3A_252] : memref<77000x512xf32, #tpu.memory_space<hbm>> -> memref<40x512xf32, #tpu.memory_space<hbm>>
          %dma_wait3A_254 = arith.constant 0 : i32
          %dma_wait3A_255 = arith.constant 0 : i32
          %dma_wait3A_256 = tpu.memref_slice %arg6[%dma_wait3A_245, %dma_wait3A_254, %dma_wait3A_255] : memref<6x40x512xf32, #tpu.memory_space<vmem>> -> memref<1x40x512xf32, #tpu.memory_space<vmem>>
          %dma_wait3A_257 = tpu.memref_squeeze %dma_wait3A_256 : memref<1x40x512xf32, #tpu.memory_space<vmem>> -> memref<40x512xf32, #tpu.memory_space<vmem>>
          tpu.wait_dma2 semaphore(%arg13 : memref<!tpu.dma_semaphore, #tpu.memory_space<semaphore_mem>>) src(%dma_wait3A_257 : memref<40x512xf32, #tpu.memory_space<vmem>>) dst(%dma_wait3A_253 : memref<40x512xf32, #tpu.memory_space<hbm>>)
        } else {
        }
        %add3A_226 = arith.constant 3 : i32
        %add3A_227 = arith.addi %add3A_180, %add3A_226 : i32
        %mul3A_228 = arith.constant 40 : i32
        %mul3A_229 = arith.muli %add3A_227, %mul3A_228 : i32
        %dma_start3A_230 = arith.constant 0 : i32
        %dma_start3A_231 = arith.constant 0 : i32
        %dma_start3A_232 = arith.constant 0 : i32
        %dma_start3A_233 = tpu.memref_slice %arg6[%dma_start3A_230, %dma_start3A_231, %dma_start3A_232] : memref<6x40x512xf32, #tpu.memory_space<vmem>> -> memref<1x40x512xf32, #tpu.memory_space<vmem>>
        %dma_start3A_234 = tpu.memref_squeeze %dma_start3A_233 : memref<1x40x512xf32, #tpu.memory_space<vmem>> -> memref<40x512xf32, #tpu.memory_space<vmem>>
        %dma_start3A_235 = tpu.memref_slice %arg5[%mul3A_229] : memref<2440xi32, #tpu.memory_space<vmem>> -> memref<40xi32, #tpu.memory_space<vmem>>
        %dma_start3A_236 = arith.constant 0 : i32
        %dma_start3A_237 = arith.constant 0 : i32
        %dma_start3A_238 = tpu.memref_slice %arg2[%dma_start3A_236, %dma_start3A_237] : memref<49408x512xf32, #tpu.memory_space<hbm>> -> memref<49408x512xf32, #tpu.memory_space<hbm>>
        tpu.enqueue_indirect_dma source(%dma_start3A_238 : memref<49408x512xf32, #tpu.memory_space<hbm>>) target(%dma_start3A_234 : memref<40x512xf32, #tpu.memory_space<vmem>>) offsets(%dma_start3A_235 : memref<40xi32, #tpu.memory_space<vmem>>) semaphore(%arg7 : memref<!tpu.dma_semaphore, #tpu.memory_space<semaphore_mem>>)
      } else {
      }
      %lt3A_187 = arith.cmpi slt, %add3A_180, %add3A_9 : i32
      %convert_element_type3A_188 = arith.extui %lt3A_187 : i1 to i32
      %cond3A_189 = arith.constant 0 : i32
      %cond3A_190 = arith.cmpi ne, %convert_element_type3A_188, %cond3A_189 : i32
      scf.if %cond3A_190 {
        %mul3A_220 = arith.constant 40 : i32
        %mul3A_221 = arith.muli %add3A_180, %mul3A_220 : i32
        %dma_wait3A_222 = arith.constant 3 : i32
        %dma_wait3A_223 = arith.constant 0 : i32
        %dma_wait3A_224 = arith.constant 0 : i32
        %dma_wait3A_225 = tpu.memref_slice %arg6[%dma_wait3A_222, %dma_wait3A_223, %dma_wait3A_224] : memref<6x40x512xf32, #tpu.memory_space<vmem>> -> memref<1x40x512xf32, #tpu.memory_space<vmem>>
        %dma_wait3A_226 = tpu.memref_squeeze %dma_wait3A_225 : memref<1x40x512xf32, #tpu.memory_space<vmem>> -> memref<40x512xf32, #tpu.memory_space<vmem>>
        %dma_wait3A_227 = tpu.memref_slice %arg5[%mul3A_221] : memref<2440xi32, #tpu.memory_space<vmem>> -> memref<40xi32, #tpu.memory_space<vmem>>
        %dma_wait3A_228 = arith.constant 0 : i32
        %dma_wait3A_229 = arith.constant 0 : i32
        %dma_wait3A_230 = tpu.memref_slice %arg2[%dma_wait3A_228, %dma_wait3A_229] : memref<49408x512xf32, #tpu.memory_space<hbm>> -> memref<49408x512xf32, #tpu.memory_space<hbm>>
        tpu.wait_indirect_dma semaphore(%arg10 : memref<!tpu.dma_semaphore, #tpu.memory_space<semaphore_mem>>) src(%dma_wait3A_230 : memref<49408x512xf32, #tpu.memory_space<hbm>>) dst(%dma_wait3A_226 : memref<40x512xf32, #tpu.memory_space<vmem>>)
        %mul3A_231 = arith.constant 40 : i32
        %mul3A_232 = arith.muli %add3A_180, %mul3A_231 : i32
        %add3A_233 = arith.addi %mul3A_6, %mul3A_232 : i32
        %dma_start3A_234 = arith.constant 3 : i32
        %dma_start3A_235 = arith.constant 0 : i32
        %dma_start3A_236 = arith.constant 0 : i32
        %dma_start3A_237 = tpu.memref_slice %arg6[%dma_start3A_234, %dma_start3A_235, %dma_start3A_236] : memref<6x40x512xf32, #tpu.memory_space<vmem>> -> memref<1x40x512xf32, #tpu.memory_space<vmem>>
        %dma_start3A_238 = tpu.memref_squeeze %dma_start3A_237 : memref<1x40x512xf32, #tpu.memory_space<vmem>> -> memref<40x512xf32, #tpu.memory_space<vmem>>
        %dma_start3A_239 = arith.constant 0 : i32
        %dma_start3A_240 = tpu.memref_slice %arg4[%add3A_233, %dma_start3A_239] : memref<77000x512xf32, #tpu.memory_space<hbm>> -> memref<40x512xf32, #tpu.memory_space<hbm>>
        %dma_start3A_241 = arith.constant 0 : i32
        %dma_start3A_242 = tpu.memref_slice %arg4[%add3A_233, %dma_start3A_241] : memref<77000x512xf32, #tpu.memory_space<hbm>> -> memref<40x512xf32, #tpu.memory_space<hbm>>
        %dma_start3A_243 = arith.constant 0 : i32
        %dma_start3A_244 = arith.constant 0 : i32
        %dma_start3A_245 = tpu.memref_slice %arg6[%dma_start3A_234, %dma_start3A_243, %dma_start3A_244] : memref<6x40x512xf32, #tpu.memory_space<vmem>> -> memref<1x40x512xf32, #tpu.memory_space<vmem>>
        %dma_start3A_246 = tpu.memref_squeeze %dma_start3A_245 : memref<1x40x512xf32, #tpu.memory_space<vmem>> -> memref<40x512xf32, #tpu.memory_space<vmem>>
        tpu.enqueue_dma source(%dma_start3A_246 : memref<40x512xf32, #tpu.memory_space<vmem>>) target(%dma_start3A_242 : memref<40x512xf32, #tpu.memory_space<hbm>>) target_semaphore(%arg16 : memref<!tpu.dma_semaphore, #tpu.memory_space<semaphore_mem>>)
      } else {
      }
      %mul3A_191 = arith.constant 6 : i32
      %mul3A_192 = arith.muli %mul3A_191, %scan3A_134 : i32
      %add3A_193 = arith.constant 4 : i32
      %add3A_194 = arith.addi %mul3A_192, %add3A_193 : i32
      %add3A_195 = arith.constant 3 : i32
      %add3A_196 = arith.addi %add3A_194, %add3A_195 : i32
      %lt3A_197 = arith.cmpi slt, %add3A_196, %add3A_9 : i32
      %convert_element_type3A_198 = arith.extui %lt3A_197 : i1 to i32
      %cond3A_199 = arith.constant 0 : i32
      %cond3A_200 = arith.cmpi ne, %convert_element_type3A_198, %cond3A_199 : i32
      scf.if %cond3A_200 {
        %add3A_220 = arith.constant 3 : i32
        %add3A_221 = arith.addi %add3A_194, %add3A_220 : i32
        %ge3A = arith.constant 6 : i32
        %ge3A_222 = arith.cmpi sge, %add3A_221, %ge3A : i32
        %convert_element_type3A_223 = arith.extui %ge3A_222 : i1 to i32
        %cond3A_224 = arith.constant 0 : i32
        %cond3A_225 = arith.cmpi ne, %convert_element_type3A_223, %cond3A_224 : i32
        scf.if %cond3A_225 {
          %add3A_239 = arith.constant 3 : i32
          %add3A_240 = arith.addi %add3A_194, %add3A_239 : i32
          %sub3A = arith.constant 6 : i32
          %sub3A_241 = arith.subi %add3A_240, %sub3A : i32
          %mul3A_242 = arith.constant 40 : i32
          %mul3A_243 = arith.muli %sub3A_241, %mul3A_242 : i32
          %add3A_244 = arith.addi %mul3A_6, %mul3A_243 : i32
          %dma_wait3A_245 = arith.constant 1 : i32
          %dma_wait3A_246 = arith.constant 0 : i32
          %dma_wait3A_247 = arith.constant 0 : i32
          %dma_wait3A_248 = tpu.memref_slice %arg6[%dma_wait3A_245, %dma_wait3A_246, %dma_wait3A_247] : memref<6x40x512xf32, #tpu.memory_space<vmem>> -> memref<1x40x512xf32, #tpu.memory_space<vmem>>
          %dma_wait3A_249 = tpu.memref_squeeze %dma_wait3A_248 : memref<1x40x512xf32, #tpu.memory_space<vmem>> -> memref<40x512xf32, #tpu.memory_space<vmem>>
          %dma_wait3A_250 = arith.constant 0 : i32
          %dma_wait3A_251 = tpu.memref_slice %arg4[%add3A_244, %dma_wait3A_250] : memref<77000x512xf32, #tpu.memory_space<hbm>> -> memref<40x512xf32, #tpu.memory_space<hbm>>
          %dma_wait3A_252 = arith.constant 0 : i32
          %dma_wait3A_253 = tpu.memref_slice %arg4[%add3A_244, %dma_wait3A_252] : memref<77000x512xf32, #tpu.memory_space<hbm>> -> memref<40x512xf32, #tpu.memory_space<hbm>>
          %dma_wait3A_254 = arith.constant 0 : i32
          %dma_wait3A_255 = arith.constant 0 : i32
          %dma_wait3A_256 = tpu.memref_slice %arg6[%dma_wait3A_245, %dma_wait3A_254, %dma_wait3A_255] : memref<6x40x512xf32, #tpu.memory_space<vmem>> -> memref<1x40x512xf32, #tpu.memory_space<vmem>>
          %dma_wait3A_257 = tpu.memref_squeeze %dma_wait3A_256 : memref<1x40x512xf32, #tpu.memory_space<vmem>> -> memref<40x512xf32, #tpu.memory_space<vmem>>
          tpu.wait_dma2 semaphore(%arg14 : memref<!tpu.dma_semaphore, #tpu.memory_space<semaphore_mem>>) src(%dma_wait3A_257 : memref<40x512xf32, #tpu.memory_space<vmem>>) dst(%dma_wait3A_253 : memref<40x512xf32, #tpu.memory_space<hbm>>)
        } else {
        }
        %add3A_226 = arith.constant 3 : i32
        %add3A_227 = arith.addi %add3A_194, %add3A_226 : i32
        %mul3A_228 = arith.constant 40 : i32
        %mul3A_229 = arith.muli %add3A_227, %mul3A_228 : i32
        %dma_start3A_230 = arith.constant 1 : i32
        %dma_start3A_231 = arith.constant 0 : i32
        %dma_start3A_232 = arith.constant 0 : i32
        %dma_start3A_233 = tpu.memref_slice %arg6[%dma_start3A_230, %dma_start3A_231, %dma_start3A_232] : memref<6x40x512xf32, #tpu.memory_space<vmem>> -> memref<1x40x512xf32, #tpu.memory_space<vmem>>
        %dma_start3A_234 = tpu.memref_squeeze %dma_start3A_233 : memref<1x40x512xf32, #tpu.memory_space<vmem>> -> memref<40x512xf32, #tpu.memory_space<vmem>>
        %dma_start3A_235 = tpu.memref_slice %arg5[%mul3A_229] : memref<2440xi32, #tpu.memory_space<vmem>> -> memref<40xi32, #tpu.memory_space<vmem>>
        %dma_start3A_236 = arith.constant 0 : i32
        %dma_start3A_237 = arith.constant 0 : i32
        %dma_start3A_238 = tpu.memref_slice %arg2[%dma_start3A_236, %dma_start3A_237] : memref<49408x512xf32, #tpu.memory_space<hbm>> -> memref<49408x512xf32, #tpu.memory_space<hbm>>
        tpu.enqueue_indirect_dma source(%dma_start3A_238 : memref<49408x512xf32, #tpu.memory_space<hbm>>) target(%dma_start3A_234 : memref<40x512xf32, #tpu.memory_space<vmem>>) offsets(%dma_start3A_235 : memref<40xi32, #tpu.memory_space<vmem>>) semaphore(%arg8 : memref<!tpu.dma_semaphore, #tpu.memory_space<semaphore_mem>>)
      } else {
      }
      %lt3A_201 = arith.cmpi slt, %add3A_194, %add3A_9 : i32
      %convert_element_type3A_202 = arith.extui %lt3A_201 : i1 to i32
      %cond3A_203 = arith.constant 0 : i32
      %cond3A_204 = arith.cmpi ne, %convert_element_type3A_202, %cond3A_203 : i32
      scf.if %cond3A_204 {
        %mul3A_220 = arith.constant 40 : i32
        %mul3A_221 = arith.muli %add3A_194, %mul3A_220 : i32
        %dma_wait3A_222 = arith.constant 4 : i32
        %dma_wait3A_223 = arith.constant 0 : i32
        %dma_wait3A_224 = arith.constant 0 : i32
        %dma_wait3A_225 = tpu.memref_slice %arg6[%dma_wait3A_222, %dma_wait3A_223, %dma_wait3A_224] : memref<6x40x512xf32, #tpu.memory_space<vmem>> -> memref<1x40x512xf32, #tpu.memory_space<vmem>>
        %dma_wait3A_226 = tpu.memref_squeeze %dma_wait3A_225 : memref<1x40x512xf32, #tpu.memory_space<vmem>> -> memref<40x512xf32, #tpu.memory_space<vmem>>
        %dma_wait3A_227 = tpu.memref_slice %arg5[%mul3A_221] : memref<2440xi32, #tpu.memory_space<vmem>> -> memref<40xi32, #tpu.memory_space<vmem>>
        %dma_wait3A_228 = arith.constant 0 : i32
        %dma_wait3A_229 = arith.constant 0 : i32
        %dma_wait3A_230 = tpu.memref_slice %arg2[%dma_wait3A_228, %dma_wait3A_229] : memref<49408x512xf32, #tpu.memory_space<hbm>> -> memref<49408x512xf32, #tpu.memory_space<hbm>>
        tpu.wait_indirect_dma semaphore(%arg11 : memref<!tpu.dma_semaphore, #tpu.memory_space<semaphore_mem>>) src(%dma_wait3A_230 : memref<49408x512xf32, #tpu.memory_space<hbm>>) dst(%dma_wait3A_226 : memref<40x512xf32, #tpu.memory_space<vmem>>)
        %mul3A_231 = arith.constant 40 : i32
        %mul3A_232 = arith.muli %add3A_194, %mul3A_231 : i32
        %add3A_233 = arith.addi %mul3A_6, %mul3A_232 : i32
        %dma_start3A_234 = arith.constant 4 : i32
        %dma_start3A_235 = arith.constant 0 : i32
        %dma_start3A_236 = arith.constant 0 : i32
        %dma_start3A_237 = tpu.memref_slice %arg6[%dma_start3A_234, %dma_start3A_235, %dma_start3A_236] : memref<6x40x512xf32, #tpu.memory_space<vmem>> -> memref<1x40x512xf32, #tpu.memory_space<vmem>>
        %dma_start3A_238 = tpu.memref_squeeze %dma_start3A_237 : memref<1x40x512xf32, #tpu.memory_space<vmem>> -> memref<40x512xf32, #tpu.memory_space<vmem>>
        %dma_start3A_239 = arith.constant 0 : i32
        %dma_start3A_240 = tpu.memref_slice %arg4[%add3A_233, %dma_start3A_239] : memref<77000x512xf32, #tpu.memory_space<hbm>> -> memref<40x512xf32, #tpu.memory_space<hbm>>
        %dma_start3A_241 = arith.constant 0 : i32
        %dma_start3A_242 = tpu.memref_slice %arg4[%add3A_233, %dma_start3A_241] : memref<77000x512xf32, #tpu.memory_space<hbm>> -> memref<40x512xf32, #tpu.memory_space<hbm>>
        %dma_start3A_243 = arith.constant 0 : i32
        %dma_start3A_244 = arith.constant 0 : i32
        %dma_start3A_245 = tpu.memref_slice %arg6[%dma_start3A_234, %dma_start3A_243, %dma_start3A_244] : memref<6x40x512xf32, #tpu.memory_space<vmem>> -> memref<1x40x512xf32, #tpu.memory_space<vmem>>
        %dma_start3A_246 = tpu.memref_squeeze %dma_start3A_245 : memref<1x40x512xf32, #tpu.memory_space<vmem>> -> memref<40x512xf32, #tpu.memory_space<vmem>>
        tpu.enqueue_dma source(%dma_start3A_246 : memref<40x512xf32, #tpu.memory_space<vmem>>) target(%dma_start3A_242 : memref<40x512xf32, #tpu.memory_space<hbm>>) target_semaphore(%arg17 : memref<!tpu.dma_semaphore, #tpu.memory_space<semaphore_mem>>)
      } else {
      }
      %mul3A_205 = arith.constant 6 : i32
      %mul3A_206 = arith.muli %mul3A_205, %scan3A_134 : i32
      %add3A_207 = arith.constant 5 : i32
      %add3A_208 = arith.addi %mul3A_206, %add3A_207 : i32
      %add3A_209 = arith.constant 3 : i32
      %add3A_210 = arith.addi %add3A_208, %add3A_209 : i32
      %lt3A_211 = arith.cmpi slt, %add3A_210, %add3A_9 : i32
      %convert_element_type3A_212 = arith.extui %lt3A_211 : i1 to i32
      %cond3A_213 = arith.constant 0 : i32
      %cond3A_214 = arith.cmpi ne, %convert_element_type3A_212, %cond3A_213 : i32
      scf.if %cond3A_214 {
        %add3A_220 = arith.constant 3 : i32
        %add3A_221 = arith.addi %add3A_208, %add3A_220 : i32
        %ge3A = arith.constant 6 : i32
        %ge3A_222 = arith.cmpi sge, %add3A_221, %ge3A : i32
        %convert_element_type3A_223 = arith.extui %ge3A_222 : i1 to i32
        %cond3A_224 = arith.constant 0 : i32
        %cond3A_225 = arith.cmpi ne, %convert_element_type3A_223, %cond3A_224 : i32
        scf.if %cond3A_225 {
          %add3A_239 = arith.constant 3 : i32
          %add3A_240 = arith.addi %add3A_208, %add3A_239 : i32
          %sub3A = arith.constant 6 : i32
          %sub3A_241 = arith.subi %add3A_240, %sub3A : i32
          %mul3A_242 = arith.constant 40 : i32
          %mul3A_243 = arith.muli %sub3A_241, %mul3A_242 : i32
          %add3A_244 = arith.addi %mul3A_6, %mul3A_243 : i32
          %dma_wait3A_245 = arith.constant 2 : i32
          %dma_wait3A_246 = arith.constant 0 : i32
          %dma_wait3A_247 = arith.constant 0 : i32
          %dma_wait3A_248 = tpu.memref_slice %arg6[%dma_wait3A_245, %dma_wait3A_246, %dma_wait3A_247] : memref<6x40x512xf32, #tpu.memory_space<vmem>> -> memref<1x40x512xf32, #tpu.memory_space<vmem>>
          %dma_wait3A_249 = tpu.memref_squeeze %dma_wait3A_248 : memref<1x40x512xf32, #tpu.memory_space<vmem>> -> memref<40x512xf32, #tpu.memory_space<vmem>>
          %dma_wait3A_250 = arith.constant 0 : i32
          %dma_wait3A_251 = tpu.memref_slice %arg4[%add3A_244, %dma_wait3A_250] : memref<77000x512xf32, #tpu.memory_space<hbm>> -> memref<40x512xf32, #tpu.memory_space<hbm>>
          %dma_wait3A_252 = arith.constant 0 : i32
          %dma_wait3A_253 = tpu.memref_slice %arg4[%add3A_244, %dma_wait3A_252] : memref<77000x512xf32, #tpu.memory_space<hbm>> -> memref<40x512xf32, #tpu.memory_space<hbm>>
          %dma_wait3A_254 = arith.constant 0 : i32
          %dma_wait3A_255 = arith.constant 0 : i32
          %dma_wait3A_256 = tpu.memref_slice %arg6[%dma_wait3A_245, %dma_wait3A_254, %dma_wait3A_255] : memref<6x40x512xf32, #tpu.memory_space<vmem>> -> memref<1x40x512xf32, #tpu.memory_space<vmem>>
          %dma_wait3A_257 = tpu.memref_squeeze %dma_wait3A_256 : memref<1x40x512xf32, #tpu.memory_space<vmem>> -> memref<40x512xf32, #tpu.memory_space<vmem>>
          tpu.wait_dma2 semaphore(%arg15 : memref<!tpu.dma_semaphore, #tpu.memory_space<semaphore_mem>>) src(%dma_wait3A_257 : memref<40x512xf32, #tpu.memory_space<vmem>>) dst(%dma_wait3A_253 : memref<40x512xf32, #tpu.memory_space<hbm>>)
        } else {
        }
        %add3A_226 = arith.constant 3 : i32
        %add3A_227 = arith.addi %add3A_208, %add3A_226 : i32
        %mul3A_228 = arith.constant 40 : i32
        %mul3A_229 = arith.muli %add3A_227, %mul3A_228 : i32
        %dma_start3A_230 = arith.constant 2 : i32
        %dma_start3A_231 = arith.constant 0 : i32
        %dma_start3A_232 = arith.constant 0 : i32
        %dma_start3A_233 = tpu.memref_slice %arg6[%dma_start3A_230, %dma_start3A_231, %dma_start3A_232] : memref<6x40x512xf32, #tpu.memory_space<vmem>> -> memref<1x40x512xf32, #tpu.memory_space<vmem>>
        %dma_start3A_234 = tpu.memref_squeeze %dma_start3A_233 : memref<1x40x512xf32, #tpu.memory_space<vmem>> -> memref<40x512xf32, #tpu.memory_space<vmem>>
        %dma_start3A_235 = tpu.memref_slice %arg5[%mul3A_229] : memref<2440xi32, #tpu.memory_space<vmem>> -> memref<40xi32, #tpu.memory_space<vmem>>
        %dma_start3A_236 = arith.constant 0 : i32
        %dma_start3A_237 = arith.constant 0 : i32
        %dma_start3A_238 = tpu.memref_slice %arg2[%dma_start3A_236, %dma_start3A_237] : memref<49408x512xf32, #tpu.memory_space<hbm>> -> memref<49408x512xf32, #tpu.memory_space<hbm>>
        tpu.enqueue_indirect_dma source(%dma_start3A_238 : memref<49408x512xf32, #tpu.memory_space<hbm>>) target(%dma_start3A_234 : memref<40x512xf32, #tpu.memory_space<vmem>>) offsets(%dma_start3A_235 : memref<40xi32, #tpu.memory_space<vmem>>) semaphore(%arg9 : memref<!tpu.dma_semaphore, #tpu.memory_space<semaphore_mem>>)
      } else {
      }
      %lt3A_215 = arith.cmpi slt, %add3A_208, %add3A_9 : i32
      %convert_element_type3A_216 = arith.extui %lt3A_215 : i1 to i32
      %cond3A_217 = arith.constant 0 : i32
      %cond3A_218 = arith.cmpi ne, %convert_element_type3A_216, %cond3A_217 : i32
      scf.if %cond3A_218 {
        %mul3A_220 = arith.constant 40 : i32
        %mul3A_221 = arith.muli %add3A_208, %mul3A_220 : i32
        %dma_wait3A_222 = arith.constant 5 : i32
        %dma_wait3A_223 = arith.constant 0 : i32
        %dma_wait3A_224 = arith.constant 0 : i32
        %dma_wait3A_225 = tpu.memref_slice %arg6[%dma_wait3A_222, %dma_wait3A_223, %dma_wait3A_224] : memref<6x40x512xf32, #tpu.memory_space<vmem>> -> memref<1x40x512xf32, #tpu.memory_space<vmem>>
        %dma_wait3A_226 = tpu.memref_squeeze %dma_wait3A_225 : memref<1x40x512xf32, #tpu.memory_space<vmem>> -> memref<40x512xf32, #tpu.memory_space<vmem>>
        %dma_wait3A_227 = tpu.memref_slice %arg5[%mul3A_221] : memref<2440xi32, #tpu.memory_space<vmem>> -> memref<40xi32, #tpu.memory_space<vmem>>
        %dma_wait3A_228 = arith.constant 0 : i32
        %dma_wait3A_229 = arith.constant 0 : i32
        %dma_wait3A_230 = tpu.memref_slice %arg2[%dma_wait3A_228, %dma_wait3A_229] : memref<49408x512xf32, #tpu.memory_space<hbm>> -> memref<49408x512xf32, #tpu.memory_space<hbm>>
        tpu.wait_indirect_dma semaphore(%arg12 : memref<!tpu.dma_semaphore, #tpu.memory_space<semaphore_mem>>) src(%dma_wait3A_230 : memref<49408x512xf32, #tpu.memory_space<hbm>>) dst(%dma_wait3A_226 : memref<40x512xf32, #tpu.memory_space<vmem>>)
        %mul3A_231 = arith.constant 40 : i32
        %mul3A_232 = arith.muli %add3A_208, %mul3A_231 : i32
        %add3A_233 = arith.addi %mul3A_6, %mul3A_232 : i32
        %dma_start3A_234 = arith.constant 5 : i32
        %dma_start3A_235 = arith.constant 0 : i32
        %dma_start3A_236 = arith.constant 0 : i32
        %dma_start3A_237 = tpu.memref_slice %arg6[%dma_start3A_234, %dma_start3A_235, %dma_start3A_236] : memref<6x40x512xf32, #tpu.memory_space<vmem>> -> memref<1x40x512xf32, #tpu.memory_space<vmem>>
        %dma_start3A_238 = tpu.memref_squeeze %dma_start3A_237 : memref<1x40x512xf32, #tpu.memory_space<vmem>> -> memref<40x512xf32, #tpu.memory_space<vmem>>
        %dma_start3A_239 = arith.constant 0 : i32
        %dma_start3A_240 = tpu.memref_slice %arg4[%add3A_233, %dma_start3A_239] : memref<77000x512xf32, #tpu.memory_space<hbm>> -> memref<40x512xf32, #tpu.memory_space<hbm>>
        %dma_start3A_241 = arith.constant 0 : i32
        %dma_start3A_242 = tpu.memref_slice %arg4[%add3A_233, %dma_start3A_241] : memref<77000x512xf32, #tpu.memory_space<hbm>> -> memref<40x512xf32, #tpu.memory_space<hbm>>
        %dma_start3A_243 = arith.constant 0 : i32
        %dma_start3A_244 = arith.constant 0 : i32
        %dma_start3A_245 = tpu.memref_slice %arg6[%dma_start3A_234, %dma_start3A_243, %dma_start3A_244] : memref<6x40x512xf32, #tpu.memory_space<vmem>> -> memref<1x40x512xf32, #tpu.memory_space<vmem>>
        %dma_start3A_246 = tpu.memref_squeeze %dma_start3A_245 : memref<1x40x512xf32, #tpu.memory_space<vmem>> -> memref<40x512xf32, #tpu.memory_space<vmem>>
        tpu.enqueue_dma source(%dma_start3A_246 : memref<40x512xf32, #tpu.memory_space<vmem>>) target(%dma_start3A_242 : memref<40x512xf32, #tpu.memory_space<hbm>>) target_semaphore(%arg18 : memref<!tpu.dma_semaphore, #tpu.memory_space<semaphore_mem>>)
      } else {
      }
      %scan3A_219 = arith.constant 0 : i32
      scf.yield %scan3A_219 : i32
    }
    %scan3A_44 = arith.constant 11 : i32
    %add3A_45 = arith.constant 0 : i32
    %add3A_46 = arith.addi %mul3A_6, %add3A_45 : i32
    %dma_wait3A = arith.constant 0 : i32
    %dma_wait3A_47 = arith.constant 0 : i32
    %dma_wait3A_48 = arith.constant 0 : i32
    %dma_wait3A_49 = tpu.memref_slice %arg6[%dma_wait3A, %dma_wait3A_47, %dma_wait3A_48] : memref<6x40x512xf32, #tpu.memory_space<vmem>> -> memref<1x40x512xf32, #tpu.memory_space<vmem>>
    %dma_wait3A_50 = tpu.memref_squeeze %dma_wait3A_49 : memref<1x40x512xf32, #tpu.memory_space<vmem>> -> memref<40x512xf32, #tpu.memory_space<vmem>>
    %dma_wait3A_51 = arith.constant 0 : i32
    %dma_wait3A_52 = tpu.memref_slice %arg4[%add3A_46, %dma_wait3A_51] : memref<77000x512xf32, #tpu.memory_space<hbm>> -> memref<40x512xf32, #tpu.memory_space<hbm>>
    %dma_wait3A_53 = arith.constant 0 : i32
    %dma_wait3A_54 = tpu.memref_slice %arg4[%add3A_46, %dma_wait3A_53] : memref<77000x512xf32, #tpu.memory_space<hbm>> -> memref<40x512xf32, #tpu.memory_space<hbm>>
    %dma_wait3A_55 = arith.constant 0 : i32
    %dma_wait3A_56 = arith.constant 0 : i32
    %dma_wait3A_57 = tpu.memref_slice %arg6[%dma_wait3A, %dma_wait3A_55, %dma_wait3A_56] : memref<6x40x512xf32, #tpu.memory_space<vmem>> -> memref<1x40x512xf32, #tpu.memory_space<vmem>>
    %dma_wait3A_58 = tpu.memref_squeeze %dma_wait3A_57 : memref<1x40x512xf32, #tpu.memory_space<vmem>> -> memref<40x512xf32, #tpu.memory_space<vmem>>
    tpu.wait_dma2 semaphore(%arg13 : memref<!tpu.dma_semaphore, #tpu.memory_space<semaphore_mem>>) src(%dma_wait3A_58 : memref<40x512xf32, #tpu.memory_space<vmem>>) dst(%dma_wait3A_54 : memref<40x512xf32, #tpu.memory_space<hbm>>)
    %add3A_59 = arith.constant 0 : i32
    %add3A_60 = arith.addi %mul3A_6, %add3A_59 : i32
    %dma_wait3A_61 = arith.constant 1 : i32
    %dma_wait3A_62 = arith.constant 0 : i32
    %dma_wait3A_63 = arith.constant 0 : i32
    %dma_wait3A_64 = tpu.memref_slice %arg6[%dma_wait3A_61, %dma_wait3A_62, %dma_wait3A_63] : memref<6x40x512xf32, #tpu.memory_space<vmem>> -> memref<1x40x512xf32, #tpu.memory_space<vmem>>
    %dma_wait3A_65 = tpu.memref_squeeze %dma_wait3A_64 : memref<1x40x512xf32, #tpu.memory_space<vmem>> -> memref<40x512xf32, #tpu.memory_space<vmem>>
    %dma_wait3A_66 = arith.constant 0 : i32
    %dma_wait3A_67 = tpu.memref_slice %arg4[%add3A_60, %dma_wait3A_66] : memref<77000x512xf32, #tpu.memory_space<hbm>> -> memref<40x512xf32, #tpu.memory_space<hbm>>
    %dma_wait3A_68 = arith.constant 0 : i32
    %dma_wait3A_69 = tpu.memref_slice %arg4[%add3A_60, %dma_wait3A_68] : memref<77000x512xf32, #tpu.memory_space<hbm>> -> memref<40x512xf32, #tpu.memory_space<hbm>>
    %dma_wait3A_70 = arith.constant 0 : i32
    %dma_wait3A_71 = arith.constant 0 : i32
    %dma_wait3A_72 = tpu.memref_slice %arg6[%dma_wait3A_61, %dma_wait3A_70, %dma_wait3A_71] : memref<6x40x512xf32, #tpu.memory_space<vmem>> -> memref<1x40x512xf32, #tpu.memory_space<vmem>>
    %dma_wait3A_73 = tpu.memref_squeeze %dma_wait3A_72 : memref<1x40x512xf32, #tpu.memory_space<vmem>> -> memref<40x512xf32, #tpu.memory_space<vmem>>
    tpu.wait_dma2 semaphore(%arg14 : memref<!tpu.dma_semaphore, #tpu.memory_space<semaphore_mem>>) src(%dma_wait3A_73 : memref<40x512xf32, #tpu.memory_space<vmem>>) dst(%dma_wait3A_69 : memref<40x512xf32, #tpu.memory_space<hbm>>)
    %add3A_74 = arith.constant 0 : i32
    %add3A_75 = arith.addi %mul3A_6, %add3A_74 : i32
    %dma_wait3A_76 = arith.constant 2 : i32
    %dma_wait3A_77 = arith.constant 0 : i32
    %dma_wait3A_78 = arith.constant 0 : i32
    %dma_wait3A_79 = tpu.memref_slice %arg6[%dma_wait3A_76, %dma_wait3A_77, %dma_wait3A_78] : memref<6x40x512xf32, #tpu.memory_space<vmem>> -> memref<1x40x512xf32, #tpu.memory_space<vmem>>
    %dma_wait3A_80 = tpu.memref_squeeze %dma_wait3A_79 : memref<1x40x512xf32, #tpu.memory_space<vmem>> -> memref<40x512xf32, #tpu.memory_space<vmem>>
    %dma_wait3A_81 = arith.constant 0 : i32
    %dma_wait3A_82 = tpu.memref_slice %arg4[%add3A_75, %dma_wait3A_81] : memref<77000x512xf32, #tpu.memory_space<hbm>> -> memref<40x512xf32, #tpu.memory_space<hbm>>
    %dma_wait3A_83 = arith.constant 0 : i32
    %dma_wait3A_84 = tpu.memref_slice %arg4[%add3A_75, %dma_wait3A_83] : memref<77000x512xf32, #tpu.memory_space<hbm>> -> memref<40x512xf32, #tpu.memory_space<hbm>>
    %dma_wait3A_85 = arith.constant 0 : i32
    %dma_wait3A_86 = arith.constant 0 : i32
    %dma_wait3A_87 = tpu.memref_slice %arg6[%dma_wait3A_76, %dma_wait3A_85, %dma_wait3A_86] : memref<6x40x512xf32, #tpu.memory_space<vmem>> -> memref<1x40x512xf32, #tpu.memory_space<vmem>>
    %dma_wait3A_88 = tpu.memref_squeeze %dma_wait3A_87 : memref<1x40x512xf32, #tpu.memory_space<vmem>> -> memref<40x512xf32, #tpu.memory_space<vmem>>
    tpu.wait_dma2 semaphore(%arg15 : memref<!tpu.dma_semaphore, #tpu.memory_space<semaphore_mem>>) src(%dma_wait3A_88 : memref<40x512xf32, #tpu.memory_space<vmem>>) dst(%dma_wait3A_84 : memref<40x512xf32, #tpu.memory_space<hbm>>)
    %add3A_89 = arith.constant 0 : i32
    %add3A_90 = arith.addi %mul3A_6, %add3A_89 : i32
    %dma_wait3A_91 = arith.constant 3 : i32
    %dma_wait3A_92 = arith.constant 0 : i32
    %dma_wait3A_93 = arith.constant 0 : i32
    %dma_wait3A_94 = tpu.memref_slice %arg6[%dma_wait3A_91, %dma_wait3A_92, %dma_wait3A_93] : memref<6x40x512xf32, #tpu.memory_space<vmem>> -> memref<1x40x512xf32, #tpu.memory_space<vmem>>
    %dma_wait3A_95 = tpu.memref_squeeze %dma_wait3A_94 : memref<1x40x512xf32, #tpu.memory_space<vmem>> -> memref<40x512xf32, #tpu.memory_space<vmem>>
    %dma_wait3A_96 = arith.constant 0 : i32
    %dma_wait3A_97 = tpu.memref_slice %arg4[%add3A_90, %dma_wait3A_96] : memref<77000x512xf32, #tpu.memory_space<hbm>> -> memref<40x512xf32, #tpu.memory_space<hbm>>
    %dma_wait3A_98 = arith.constant 0 : i32
    %dma_wait3A_99 = tpu.memref_slice %arg4[%add3A_90, %dma_wait3A_98] : memref<77000x512xf32, #tpu.memory_space<hbm>> -> memref<40x512xf32, #tpu.memory_space<hbm>>
    %dma_wait3A_100 = arith.constant 0 : i32
    %dma_wait3A_101 = arith.constant 0 : i32
    %dma_wait3A_102 = tpu.memref_slice %arg6[%dma_wait3A_91, %dma_wait3A_100, %dma_wait3A_101] : memref<6x40x512xf32, #tpu.memory_space<vmem>> -> memref<1x40x512xf32, #tpu.memory_space<vmem>>
    %dma_wait3A_103 = tpu.memref_squeeze %dma_wait3A_102 : memref<1x40x512xf32, #tpu.memory_space<vmem>> -> memref<40x512xf32, #tpu.memory_space<vmem>>
    tpu.wait_dma2 semaphore(%arg16 : memref<!tpu.dma_semaphore, #tpu.memory_space<semaphore_mem>>) src(%dma_wait3A_103 : memref<40x512xf32, #tpu.memory_space<vmem>>) dst(%dma_wait3A_99 : memref<40x512xf32, #tpu.memory_space<hbm>>)
    %add3A_104 = arith.constant 0 : i32
    %add3A_105 = arith.addi %mul3A_6, %add3A_104 : i32
    %dma_wait3A_106 = arith.constant 4 : i32
    %dma_wait3A_107 = arith.constant 0 : i32
    %dma_wait3A_108 = arith.constant 0 : i32
    %dma_wait3A_109 = tpu.memref_slice %arg6[%dma_wait3A_106, %dma_wait3A_107, %dma_wait3A_108] : memref<6x40x512xf32, #tpu.memory_space<vmem>> -> memref<1x40x512xf32, #tpu.memory_space<vmem>>
    %dma_wait3A_110 = tpu.memref_squeeze %dma_wait3A_109 : memref<1x40x512xf32, #tpu.memory_space<vmem>> -> memref<40x512xf32, #tpu.memory_space<vmem>>
    %dma_wait3A_111 = arith.constant 0 : i32
    %dma_wait3A_112 = tpu.memref_slice %arg4[%add3A_105, %dma_wait3A_111] : memref<77000x512xf32, #tpu.memory_space<hbm>> -> memref<40x512xf32, #tpu.memory_space<hbm>>
    %dma_wait3A_113 = arith.constant 0 : i32
    %dma_wait3A_114 = tpu.memref_slice %arg4[%add3A_105, %dma_wait3A_113] : memref<77000x512xf32, #tpu.memory_space<hbm>> -> memref<40x512xf32, #tpu.memory_space<hbm>>
    %dma_wait3A_115 = arith.constant 0 : i32
    %dma_wait3A_116 = arith.constant 0 : i32
    %dma_wait3A_117 = tpu.memref_slice %arg6[%dma_wait3A_106, %dma_wait3A_115, %dma_wait3A_116] : memref<6x40x512xf32, #tpu.memory_space<vmem>> -> memref<1x40x512xf32, #tpu.memory_space<vmem>>
    %dma_wait3A_118 = tpu.memref_squeeze %dma_wait3A_117 : memref<1x40x512xf32, #tpu.memory_space<vmem>> -> memref<40x512xf32, #tpu.memory_space<vmem>>
    tpu.wait_dma2 semaphore(%arg17 : memref<!tpu.dma_semaphore, #tpu.memory_space<semaphore_mem>>) src(%dma_wait3A_118 : memref<40x512xf32, #tpu.memory_space<vmem>>) dst(%dma_wait3A_114 : memref<40x512xf32, #tpu.memory_space<hbm>>)
    %add3A_119 = arith.constant 0 : i32
    %add3A_120 = arith.addi %mul3A_6, %add3A_119 : i32
    %dma_wait3A_121 = arith.constant 5 : i32
    %dma_wait3A_122 = arith.constant 0 : i32
    %dma_wait3A_123 = arith.constant 0 : i32
    %dma_wait3A_124 = tpu.memref_slice %arg6[%dma_wait3A_121, %dma_wait3A_122, %dma_wait3A_123] : memref<6x40x512xf32, #tpu.memory_space<vmem>> -> memref<1x40x512xf32, #tpu.memory_space<vmem>>
    %dma_wait3A_125 = tpu.memref_squeeze %dma_wait3A_124 : memref<1x40x512xf32, #tpu.memory_space<vmem>> -> memref<40x512xf32, #tpu.memory_space<vmem>>
    %dma_wait3A_126 = arith.constant 0 : i32
    %dma_wait3A_127 = tpu.memref_slice %arg4[%add3A_120, %dma_wait3A_126] : memref<77000x512xf32, #tpu.memory_space<hbm>> -> memref<40x512xf32, #tpu.memory_space<hbm>>
    %dma_wait3A_128 = arith.constant 0 : i32
    %dma_wait3A_129 = tpu.memref_slice %arg4[%add3A_120, %dma_wait3A_128] : memref<77000x512xf32, #tpu.memory_space<hbm>> -> memref<40x512xf32, #tpu.memory_space<hbm>>
    %dma_wait3A_130 = arith.constant 0 : i32
    %dma_wait3A_131 = arith.constant 0 : i32
    %dma_wait3A_132 = tpu.memref_slice %arg6[%dma_wait3A_121, %dma_wait3A_130, %dma_wait3A_131] : memref<6x40x512xf32, #tpu.memory_space<vmem>> -> memref<1x40x512xf32, #tpu.memory_space<vmem>>
    %dma_wait3A_133 = tpu.memref_squeeze %dma_wait3A_132 : memref<1x40x512xf32, #tpu.memory_space<vmem>> -> memref<40x512xf32, #tpu.memory_space<vmem>>
    tpu.wait_dma2 semaphore(%arg18 : memref<!tpu.dma_semaphore, #tpu.memory_space<semaphore_mem>>) src(%dma_wait3A_133 : memref<40x512xf32, #tpu.memory_space<vmem>>) dst(%dma_wait3A_129 : memref<40x512xf32, #tpu.memory_space<hbm>>)
    return
  }
}

</mosaic_0001>

<sc_bundles>
// kernel: kernel.3.cloned.1.call-start
scs
__scs_entry_jumppad:
0x0: {  	(pc) =	sbr.rel $0x88, $3  }
0x1: {  	(tag) =	ssettag $0x0;
	lr =	simm.s32 $0x1  }
0x2: {  	[smem:$0x3F9F] =	sst lr;
	_ =	strace $0xD0000000  }
0x3: {  	_ = 	snop  }
0x4: {  	_ = 	snop  }
0x5: {  	_ = 	snop  }
0x6: {  	_ = 	snop  }
0x7: {  	_ = 	snop  }
__scs_overlays_trampoline_lowered:
0x8: {  	[smem:$0x3FAE] =	sst s0  }
0x9: {  	[smem:$0x3FAF] =	sst s1  }
0xa: {  	[smem:$0x3FB0] =	sst s2  }
0xb: {  	[smem:$0x3FB1] =	sst s3  }
0xc: {  	[smem:$0x3FB2] =	sst s4  }
0xd: {  	[smem:$0x3FB3] =	sst s5  }
0xe: {  	[smem:$0x3FB4] =	sst s6  }
0xf: {  	[smem:$0x3FB5] =	sst s7  }
0x10: {  	[smem:$0x3FB6] =	sst s8  }
0x11: {  	[smem:$0x3FB7] =	sst s9;
	s0 =	simm.s32 @!p0 $0x0  }
0x12: {  	s1 =	sld [smem:$0x3F9D];
	s0 =	simm.s32 @p0 $0x1  }
0x13: {  	[smem:$0x3FB8] =	sst s0;
	s0 =	simm.s32 @!p1 $0x0  }
0x14: {  	s2 =	sld [smem:$0x3F9C];
	s0 =	simm.s32 @p1 $0x1  }
0x15: {  	[smem:$0x3FB9] =	sst s0;
	s0 =	simm.s32 @!p2 $0x0  }
0x16: {  	s3 =	sld [smem:$0x3FDB];
	s0 =	simm.s32 @p2 $0x1  }
0x17: {  	s4 =	simm.s32 $0x1BF5;
	[smem:$0x3FBB] =	sst s0  }
0x18: {  	s0 =	sld [smem:$0x3F9E];
	_ =	swait.ge [sflag:s4], $0x0  }
0x19: {  	s7 =	sld [smem:$0x3F9F]  }
0x1a: {  	s8 =	sadd.s32 $0xFFFFE003, lr  }
0x1b: {  	s9 =	sadd.s32 $0xFFFFFEF7, lr;
	s5 =	simm.s32 $0xFFFFFFFF;
	p2 =	slt.u32 s8, $0xFFFFF086  }
0x1c: {  	p1 =	slt.u32 s9, $0xF7A;
	s5 =	simm.s32 @!p2 $0x0  }
0x1d: {  	s5 =	simm.s32 @p1 $0x1;
	p0 =	seq.s32 s7, s2  }
0x1e: {  	s7 =	smul.u32 @!p0 $0xF7A, s2;
	p2 =	seq.s32 @!p0 s5, $0x0  }
0x1f: {  	s9 =	smul.u32 $0xF7A, s1;
	s8 =	simm.s32 @!p0 $0x1BF5;
	p2 =	por !p2, p0  }
0x20: {  	[sflag:s8] =	ssyncset.s32 @!p0 $0xFFFFF086;
	s6 =	sadd.s32 @!p0 s3, s7;
	s7 =	simm.s32 @!p0 $0x108  }
0x21: {  	s3 =	sadd.s32 s3, s9;
	s6 =	sadd.s32 @!p0 $0x88, s6;
	s7 =	simm.s32 @p2 $0x1082  }
0x22: {  	[simem:s7], [sflag:s8] =	dma.local @!p0 [hbm:s6], $0xF7A  }
0x23: {  	s9 =	sor.u32 $0xD0000000, s2;
	s6 =	simm.s32 $0x108;
	_ =	swait.ge @!p0 [sflag:s8], $0x0  }
0x24: {  	s3 =	sadd.s32 $0x88, s3;
	s6 =	simm.s32 @!p1 $0x1082;
	[sflag:s4] =	ssyncset.s32 $0xFFFFF086  }
0x25: {  	[simem:s6], [sflag:s4] =	dma.local [hbm:s3], $0xF7A  }
0x26: {  	[smem:$0x3F9F] =	sst s1;
	(tag) =	ssettag s2;
	_ =	strace s9  }
0x27: {  	s1 =	sld [smem:$0x3FAF]  }
0x28: {  	s2 =	sld [smem:$0x3FB0]  }
0x29: {  	s4 =	sld [smem:$0x3FB2]  }
0x2a: {  	p0 =	seq.s32 s5, $0x0;
	s5 =	sld [smem:$0x3FB3]  }
0x2b: {  	s6 =	sld [smem:$0x3FB4]  }
0x2c: {  	s7 =	sld [smem:$0x3FB5]  }
0x2d: {  	s3 =	simm.s32 $0x108;
	s8 =	sld [smem:$0x3FB6]  }
0x2e: {  	s3 =	simm.s32 @!p0 $0x1082;
	s9 =	sld [smem:$0x3FB7]  }
0x2f: {  	lr =	sadd.s32 s0, s3;
	s0 =	sld [smem:$0x3FAE]  }
0x30: {  	s3 =	sld [smem:$0x3FB1]  }
0x31: {  	[smem:$0x3FBA] =	sst s10  }
0x32: {  	s10 =	sld [smem:$0x3FB8];
	_ =	sdelay $0x3  }
0x33: {  	p0 =	seq.s32 s10, $0x1;
	s10 =	sld [smem:$0x3FBA];
	_ =	sdelay $0x3  }
0x34: {  	[smem:$0x3FBA] =	sst s10  }
0x35: {  	s10 =	sld [smem:$0x3FB9];
	_ =	sdelay $0x3  }
0x36: {  	p1 =	seq.s32 s10, $0x1;
	s10 =	sld [smem:$0x3FBA];
	_ =	sdelay $0x3  }
0x37: {  	[smem:$0x3FBA] =	sst s10  }
0x38: {  	s10 =	sld [smem:$0x3FBB]  }
0x39: {  	_ = 	snop;
	(pc) =	sbr.ind lr, $3  }
0x3a: {  	_ = 	snop  }
0x3b: {  	_ = 	snop  }
0x3c: {  	p2 =	seq.s32 s10, $0x1;
	s10 =	sld [smem:$0x3FBA]  }
0x3d: {  	_ =	shalt  }
0x3e: {  	_ =	shalt  }
0x3f: {  	_ =	shalt  }
0x40: {  	_ =	shalt  }
0x41: {  	_ =	shalt  }
0x42: {  	_ =	shalt  }
0x43: {  	_ =	shalt  }
0x44: {  	_ =	shalt  }
0x45: {  	_ =	shalt  }
0x46: {  	_ =	shalt  }
0x47: {  	_ =	shalt  }
0x48: {  	_ =	shalt  }
0x49: {  	_ =	shalt  }
0x4a: {  	_ =	shalt  }
0x4b: {  	_ =	shalt  }
0x4c: {  	_ =	shalt  }
0x4d: {  	_ =	shalt  }
0x4e: {  	_ =	shalt  }
0x4f: {  	_ =	shalt  }
0x50: {  	_ =	shalt  }
0x51: {  	_ =	shalt  }
0x52: {  	_ =	shalt  }
0x53: {  	_ =	shalt  }
0x54: {  	_ =	shalt  }
0x55: {  	_ =	shalt  }
0x56: {  	_ =	shalt  }
0x57: {  	_ =	shalt  }
0x58: {  	_ =	shalt  }
0x59: {  	_ =	shalt  }
0x5a: {  	_ =	shalt  }
0x5b: {  	_ =	shalt  }
0x5c: {  	_ =	shalt  }
0x5d: {  	_ =	shalt  }
0x5e: {  	_ =	shalt  }
0x5f: {  	_ =	shalt  }
0x60: {  	_ =	shalt  }
0x61: {  	_ =	shalt  }
0x62: {  	_ =	shalt  }
0x63: {  	_ =	shalt  }
0x64: {  	_ =	shalt  }
0x65: {  	_ =	shalt  }
0x66: {  	_ =	shalt  }
0x67: {  	_ =	shalt  }
0x68: {  	_ =	shalt  }
0x69: {  	_ =	shalt  }
0x6a: {  	_ =	shalt  }
0x6b: {  	_ =	shalt  }
0x6c: {  	_ =	shalt  }
0x6d: {  	_ =	shalt  }
0x6e: {  	_ =	shalt  }
0x6f: {  	_ =	shalt  }
0x70: {  	_ =	shalt  }
0x71: {  	_ =	shalt  }
0x72: {  	_ =	shalt  }
0x73: {  	_ =	shalt  }
0x74: {  	_ =	shalt  }
0x75: {  	_ =	shalt  }
0x76: {  	_ =	shalt  }
0x77: {  	_ =	shalt  }
0x78: {  	_ =	shalt  }
0x79: {  	_ =	shalt  }
0x7a: {  	_ =	shalt  }
0x7b: {  	_ =	shalt  }
0x7c: {  	_ =	shalt  }
0x7d: {  	_ =	shalt  }
0x7e: {  	_ =	shalt  }
0x7f: {  	_ =	shalt  }
0x80: {  	_ =	shalt  }
0x81: {  	_ =	shalt  }
0x82: {  	_ =	shalt  }
0x83: {  	_ =	shalt  }
0x84: {  	_ =	shalt  }
0x85: {  	_ =	shalt  }
0x86: {  	_ =	shalt  }
0x87: {  	_ =	shalt  }
.Lfunc_end0:
.L_simem_size_0:
called_computation_lowered:
.L_overlay_start_0:
0x88: {  	s2 =	sld [smem:$0x3FD9]  }
0x89: {  	s3 =	sld [smem:$0x3FFE];
	_ =	sdelay $0x1  }
0x8a: {  	s1 =	srdreg.scid  }
0x8b: {  	s0 =	sand.u32 $0x1, s1  }
0x8c: {  	s17 =	sshll.u32 s0, $0xA;
	s2 =	sadd.s32 s3, s2  }
0x8d: {  	s2 =	sadd.s32 s2, s17  }
0x8e: {  	[smem:$0x3FC6] =	sst s2  }
0x8f: {  	_ = 	snop  }
0x90: {  	s2 =	sld [smem:$0x3FC8]  }
0x91: {  	s18 =	sld [smem:$0x3FD0];
	(tm) =	ssettm $0x1  }
0x92: {  	s4 =	sld [smem:$0x3FFB];
	_ =	sdelay $0x3  }
0x93: {  	_ =	strace s4  }
0x94: {  	s4 =	sld [smem:$0x3FFC];
	_ =	sdelay $0x3  }
0x95: {  	_ =	strace s4  }
0x96: {  	s4 =	sld [smem:$0x3FFD];
	_ =	sdelay $0x3  }
0x97: {  	_ =	strace s4  }
0x98: {  	_ =	strace $0x8FFFFFFF  }
0x99: {  	s19 =	sld [smem:$0x3FDB];
	_ =	sdelay $0x1  }
0x9a: {  	s5 =	simm.s32 $_scs_section_size  }
0x9b: {  	s6 =	simm.s32 $_size__tile_overlayer_lowered;
	s7 =	simm.s32 $_tile_overlayer_lowered  }
0x9c: {  	s22 =	simm.s32 $0x1BFF;
	s21 =	sshll.u32 s7, $0x1;
	s4 =	sadd.s32 s5, s19  }
0x9d: {  	s8 =	simm.s32 $0x0;
	s20 =	sshll.u32 s6, $0x1;
	s6 =	sadd.s32 s21, s4  }
0x9e: {  	[timem:s8], [sflag:s22] =	dma.local [hbm:s6], s20  }
0x9f: {  	_ =	swait.ge [sflag:s22], s20  }
0xa0: {  	s5 =	ssub.s32 $0x0, s20;
	[sflag:s22] =	ssyncset.done $0x0  }
0xa1: {  	[sflag:s22] =	ssyncadd.s32 s5;
	_ =	sdelay $0x1  }
0xa2: {  	s23 =	simm.s32 $0x1B8B  }
0xa3: {  	_ =	swait.ge [sflag:s23], $0x1  }
0xa4: {  	[sflag:s23] =	ssyncset.done $0x0  }
0xa5: {  	s25 =	simm.s32 $0x1B8E;
	s24 =	sld [smem:$0x3FFE];
	[sflag:s23] =	ssyncadd.s32 $0xFFFFFFFF  }
0xa6: {  	s26 =	simm.s32 $execute0_lowered;
	[smem:$0x3FD2] =	sst s25  }
0xa7: {  	s6 =	sshll.u32 s26, $0x1;
	_ =	strace $0x80000046;
	[dreg:$0x1] =	wrdreg $0xFFFFFFFF  }
0xa8: {  	s28 =	simm.s32 $_size_execute0_lowered;
	s4 =	sadd.s32 s4, s6;
	[dreg:$0x0] =	wrdreg $0x0  }
0xa9: {  	s6 =	sshll.u32 s28, $0x1;
	[dreg:$0x2] =	wrdreg s4  }
0xaa: {  	[dreg:$0x3] =	wrdreg s6  }
0xab: {  	[dreg:$0x4] =	wrdreg $0xC0  }
0xac: {  	_ =	task [dreg:s8], $0x5FFFF  }
0xad: {  	[dreg:$0x1] =	wrdreg $0xFFFFFFFF  }
0xae: {  	[dreg:$0x0] =	wrdreg $0x60  }
0xaf: {  	[dreg:$0x2] =	wrdreg s2  }
0xb0: {  	[dreg:$0x3] =	wrdreg s24  }
0xb1: {  	[dreg:$0x4] =	wrdreg s18  }
0xb2: {  	[dreg:$0x5] =	wrdreg $0x9  }
0xb3: {  	_ =	task.clear_ibuf [dreg:s8], $0x6FFFF;
	_ =	strace $0x90000046  }
0xb4: {  	s29 =	simm.s32 $0x9;
	_ =	strace $0x80000048  }
0xb5: {  	_ =	swait.ge [sflag:s29], $0x1  }
0xb6: {  	[sflag:s29] =	ssyncadd.s32 $0xFFFFFFFF  }
0xb7: {  	_ =	strace $0x90000048  }
0xb8: {  	_ =	sfence  }
0xb9: {  	s30 =	sld [smem:$0x0];
	_ =	sdelay $0x2  }
0xba: {  	s31 =	sshll.u32 s1, $0xD;
	s1 =	sshrl.u32 s1, $0x2  }
0xbb: {  	s3 =	sand.u32 $0x4000, s31;
	s1 =	sadd.s32 s1, s30  }
0xbc: {  	s0 =	sor.u32 s3, s0;
	s1 =	sshll.u32 s1, $0x11  }
0xbd: {  	s0 =	sor.u32 s1, s0  }
0xbe: {  	s0 =	sadd.s32 $0x8F2B, s0  }
0xbf: {  	[sflag:s0] =	ssyncadd.remote.s32 $0x1  }
0xc0: {  	_ =	sfence.sel $0xFFFF  }
0xc1: {  	[dreg:$0x0] =	wrdreg $0xFFFFFFFF;
	(pc) =	sbr.abs _section_cstart, $3  }
0xc2: {  	[dreg:$0x1] =	wrdreg $0xFFFFFFFF  }
0xc3: {  	_ =	task.clear_ibuf [dreg:s8], $0x2FFFF;
	_ =	strace $0x9FFFFFFF  }
0xc4: {  	(tm) =	ssettm $0x7FFFFFFF  }
0xc5: {  	_ =	shalt  }
tec
execute0_lowered:
.L_overlay_start_1:
0x0: {  	(tag) =	ssettag $0x1  }
0x1: {  	s2 =	rddreg [dreg:$0x0]  }
0x2: {  	s0 =	srdreg.scid;
	s4 =	rddreg [dreg:$0x1]  }
0x3: {  	s10 =	stileid.u32;
	s7 =	rddreg [dreg:$0x2]  }
0x4: {  	s13 =	simm.s32 $0xDA00;
	s14 =	simm.s32 $0xE200;
	s15 =	simm.s32 $0xEA00  }
0x5: {  	s16 =	simm.s32 $0xF200;
	s17 =	simm.s32 $0x7;
	s18 =	simm.s32 $0x8  }
0x6: {  	s19 =	simm.s32 $0x9;
	s20 =	simm.s32 $0xA;
	s21 =	simm.s32 $0xB  }
0x7: {  	s0 =	sand.u32 $0x1, s0;
	s1 =	sshll.u32 s10, $0x1;
	s30 =	smul.u32 $0x4B000, s10  }
0x8: {  	s1 =	sor.u32 s0, s1;
	s8 =	ssub.s32 $0x2, s0;
	s0 =	smul.u32 $0x25800, s0  }
0x9: {  	s22 =	simm.s32 $0xC;
	s23 =	simm.s32 $0x0;
	s3 =	smul.u32 $0x3C, s1  }
0xa: {  	s6 =	smin.u32 s1, $0x5;
	s9 =	sshrl.u32 s8, $0x1;
	p0 =	slt.u32 s1, $0x5  }
0xb: {  	s1 =	sadd.s32 s30, s7;
	s31 =	smul.u32 $0xA00, s6;
	s3 =	sadd.s32 s6, s3  }
0xc: {  	s8 =	ssub.s32 s8, s9;
	s0 =	sadd.s32 s0, s1;
	s5 =	smul.u32 $0x28, s3  }
0xd: {  	s9 =	simm.s32 $0xD;
	s6 =	sadd.s32 $0x100, s2;
	s7 =	smax.u32 s8, $0x1  }
0xe: {  	v2 =	vlaneseq.u32;
	s3 =	simm.s32 $0x0;
	s8 =	sadd.s32 s31, s0;
	s5 =	sshrl.u32 s5, $0x3  }
0xf: {  	vm0 =	vmmov $0xffff;
	v1 =	vshrl.u32 v2, $0x3;
	[smem:$0x7FF] =	sst s3;
	s5 =	sadd.s32 s5, s4;
	s4 =	simm.s32 $0x3D  }
0x10: {  	v0 =	vand.u32 $0x7, v2;
	v2 =	vor.u32 $0x8, v2;
	v1 =	vmul.u32 $0x8, v1;
	_ =	strace $0x80000047;
	s4 =	simm.s32 @!p0 $0x3C;
	s5 =	sadd.s32 $0x400, s5  }
.LBB2_1:
0x11: {  	[tilespmem:s3], [sflag:$0xD] =	stream.linear.gather [hbm4b:s5+s3], $0x988, $0x38;
	[tilespmem:$0x1EA00] =	vst v63  }
0x12: {  	_ =	swait.ge [sflag:s9], $0x988  }
0x13: {  	[sflag:s9] =	ssyncset.done $0x0  }
0x14: {  	[sflag:s9] =	ssyncadd.s32 $0xFFFFF678  }
0x15: {  	v3 =	vld [tilespmem:$0x0];
	_ =	sdelay $0x4  }
0x16: {  	v4 =	vshll.u32 v3, $0x2  }
0x17: {  	v3 =	vand.u32 $0x7, v3;
	v4 =	vand.u32 $0xFFFFFFE0, v4  }
0x18: {  	v3 =	vor.u32 v3, v4  }
0x19: {  	v4 =	vperm.xlane v3, v0;
	_ =	sdelay $0x1  }
0x1a: {  	v4 =	vadd.s32 v1, v4;
	_ =	sdelay $0x1  }
0x1b: {  	v3 =	vperm.xlane v3, v2;
	_ =	sdelay $0x1  }
0x1c: {  	s0 =	simm.s32 $0xA00;
	v3 =	vadd.s32 v1, v3  }
0x1d: {  	[tilespmem:s0], [sflag:$0x1] =	stream.indirect_vreg.gather [hbm4b:s2+s3], $0x80, v4, vm0, $0xb8;
	[tilespmem:$0x1EA00] =	vst v63  }
0x1e: {  	s29 =	simm.s32 $0x1200  }
0x1f: {  	[tilespmem:s29], [sflag:$0x1] =	stream.indirect_vreg.gather [hbm4b:s6+s3], $0x80, v4, vm0, $0xb8;
	[tilespmem:$0x1EA00] =	vst v63  }
0x20: {  	s30 =	simm.s32 $0x1A00  }
0x21: {  	[tilespmem:s30], [sflag:$0x1] =	stream.indirect_vreg.gather [hbm4b:s2+s3], $0x80, v3, vm0, $0xb8;
	[tilespmem:$0x1EA00] =	vst v63  }
0x22: {  	s31 =	simm.s32 $0x2200  }
0x23: {  	[tilespmem:s31], [sflag:$0x1] =	stream.indirect_vreg.gather [hbm4b:s6+s3], $0x80, v3, vm0, $0xb8;
	[tilespmem:$0x1EA00] =	vst v63  }
0x24: {  	v3 =	vld [tilespmem:$0x10];
	_ =	sdelay $0x4  }
0x25: {  	v56 =	vshll.u32 v3, $0x2  }
0x26: {  	v3 =	vand.u32 $0x7, v3;
	v4 =	vand.u32 $0xFFFFFFE0, v56  }
0x27: {  	v3 =	vor.u32 v3, v4  }
0x28: {  	v4 =	vperm.xlane v3, v0;
	_ =	sdelay $0x1  }
0x29: {  	v4 =	vadd.s32 v1, v4;
	_ =	sdelay $0x1  }
0x2a: {  	v3 =	vperm.xlane v3, v2;
	_ =	sdelay $0x1  }
0x2b: {  	s1 =	simm.s32 $0x2A00;
	v3 =	vadd.s32 v1, v3  }
0x2c: {  	[tilespmem:s1], [sflag:$0x1] =	stream.indirect_vreg.gather [hbm4b:s2+s3], $0x80, v4, vm0, $0xb8;
	[tilespmem:$0x1EA00] =	vst v63  }
0x2d: {  	s10 =	simm.s32 $0x3200  }
0x2e: {  	[tilespmem:s10], [sflag:$0x1] =	stream.indirect_vreg.gather [hbm4b:s6+s3], $0x80, v4, vm0, $0xb8;
	[tilespmem:$0x1EA00] =	vst v63  }
0x2f: {  	s11 =	simm.s32 $0x3A00  }
0x30: {  	[tilespmem:s11], [sflag:$0x1] =	stream.indirect_vreg.gather [hbm4b:s2+s3], $0x80, v3, vm0, $0xb8;
	[tilespmem:$0x1EA00] =	vst v63  }
0x31: {  	s12 =	simm.s32 $0x4200  }
0x32: {  	[tilespmem:s12], [sflag:$0x1] =	stream.indirect_vreg.gather [hbm4b:s6+s3], $0x80, v3, vm0, $0xb8;
	[tilespmem:$0x1EA00] =	vst v63  }
0x33: {  	v3 =	vld.msk [tilespmem:$0x20], $0xff;
	_ =	sdelay $0x4  }
0x34: {  	v57 =	vshll.u32 v3, $0x2  }
0x35: {  	v3 =	vand.u32 $0x7, v3;
	v4 =	vand.u32 $0xFFFFFFE0, v57  }
0x36: {  	v3 =	vor.u32 v3, v4  }
0x37: {  	v3 =	vperm.xlane v3, v0;
	_ =	sdelay $0x1  }
0x38: {  	v3 =	vadd.s32 v1, v3;
	_ =	sdelay $0x3  }
0x39: {  	s24 =	simm.s32 $0x4A00  }
0x3a: {  	[tilespmem:s24], [sflag:$0x1] =	stream.indirect_vreg.gather [hbm4b:s2+s3], $0x80, v3, vm0, $0xb8;
	[tilespmem:$0x1EA00] =	vst v63  }
0x3b: {  	s25 =	simm.s32 $0x5200  }
0x3c: {  	[tilespmem:s25], [sflag:$0x1] =	stream.indirect_vreg.gather [hbm4b:s6+s3], $0x80, v3, vm0, $0xb8;
	[tilespmem:$0x1EA00] =	vst v63  }
0x3d: {  	v3 =	vld [tilespmem:$0x28];
	_ =	sdelay $0x4  }
0x3e: {  	v58 =	vshll.u32 v3, $0x2  }
0x3f: {  	v3 =	vand.u32 $0x7, v3;
	v4 =	vand.u32 $0xFFFFFFE0, v58  }
0x40: {  	v3 =	vor.u32 v3, v4  }
0x41: {  	v4 =	vperm.xlane v3, v0;
	_ =	sdelay $0x1  }
0x42: {  	v4 =	vadd.s32 v1, v4;
	_ =	sdelay $0x1  }
0x43: {  	v3 =	vperm.xlane v3, v2;
	_ =	sdelay $0x1  }
0x44: {  	s26 =	simm.s32 $0x5A00;
	v3 =	vadd.s32 v1, v3  }
0x45: {  	[tilespmem:s26], [sflag:$0x2] =	stream.indirect_vreg.gather [hbm4b:s2+s3], $0x80, v4, vm0, $0xb8;
	[tilespmem:$0x1EA00] =	vst v63  }
0x46: {  	s28 =	simm.s32 $0x6200  }
0x47: {  	[tilespmem:s28], [sflag:$0x2] =	stream.indirect_vreg.gather [hbm4b:s6+s3], $0x80, v4, vm0, $0xb8;
	[tilespmem:$0x1EA00] =	vst v63  }
0x48: {  	s29 =	simm.s32 $0x6A00  }
0x49: {  	[tilespmem:s29], [sflag:$0x2] =	stream.indirect_vreg.gather [hbm4b:s2+s3], $0x80, v3, vm0, $0xb8;
	[tilespmem:$0x1EA00] =	vst v63  }
0x4a: {  	s30 =	simm.s32 $0x7200  }
0x4b: {  	[tilespmem:s30], [sflag:$0x2] =	stream.indirect_vreg.gather [hbm4b:s6+s3], $0x80, v3, vm0, $0xb8;
	[tilespmem:$0x1EA00] =	vst v63  }
0x4c: {  	v3 =	vld [tilespmem:$0x38];
	_ =	sdelay $0x4  }
0x4d: {  	v59 =	vshll.u32 v3, $0x2  }
0x4e: {  	v3 =	vand.u32 $0x7, v3;
	v4 =	vand.u32 $0xFFFFFFE0, v59  }
0x4f: {  	v3 =	vor.u32 v3, v4  }
0x50: {  	v4 =	vperm.xlane v3, v0;
	_ =	sdelay $0x1  }
0x51: {  	v4 =	vadd.s32 v1, v4;
	_ =	sdelay $0x1  }
0x52: {  	v3 =	vperm.xlane v3, v2;
	_ =	sdelay $0x1  }
0x53: {  	s31 =	simm.s32 $0x7A00;
	v3 =	vadd.s32 v1, v3  }
0x54: {  	[tilespmem:s31], [sflag:$0x2] =	stream.indirect_vreg.gather [hbm4b:s2+s3], $0x80, v4, vm0, $0xb8;
	[tilespmem:$0x1EA00] =	vst v63  }
0x55: {  	s1 =	simm.s32 $0x8200  }
0x56: {  	[tilespmem:s1], [sflag:$0x2] =	stream.indirect_vreg.gather [hbm4b:s6+s3], $0x80, v4, vm0, $0xb8;
	[tilespmem:$0x1EA00] =	vst v63  }
0x57: {  	s10 =	simm.s32 $0x8A00  }
0x58: {  	[tilespmem:s10], [sflag:$0x2] =	stream.indirect_vreg.gather [hbm4b:s2+s3], $0x80, v3, vm0, $0xb8;
	[tilespmem:$0x1EA00] =	vst v63  }
0x59: {  	s11 =	simm.s32 $0x9200  }
0x5a: {  	[tilespmem:s11], [sflag:$0x2] =	stream.indirect_vreg.gather [hbm4b:s6+s3], $0x80, v3, vm0, $0xb8;
	[tilespmem:$0x1EA00] =	vst v63  }
0x5b: {  	v3 =	vld.msk [tilespmem:$0x48], $0xff;
	_ =	sdelay $0x4  }
0x5c: {  	v60 =	vshll.u32 v3, $0x2  }
0x5d: {  	v3 =	vand.u32 $0x7, v3;
	v4 =	vand.u32 $0xFFFFFFE0, v60  }
0x5e: {  	v3 =	vor.u32 v3, v4  }
0x5f: {  	v3 =	vperm.xlane v3, v0;
	_ =	sdelay $0x1  }
0x60: {  	v3 =	vadd.s32 v1, v3;
	_ =	sdelay $0x3  }
0x61: {  	s12 =	simm.s32 $0x9A00  }
0x62: {  	[tilespmem:s12], [sflag:$0x2] =	stream.indirect_vreg.gather [hbm4b:s2+s3], $0x80, v3, vm0, $0xb8;
	[tilespmem:$0x1EA00] =	vst v63  }
0x63: {  	s24 =	simm.s32 $0xA200  }
0x64: {  	[tilespmem:s24], [sflag:$0x2] =	stream.indirect_vreg.gather [hbm4b:s6+s3], $0x80, v3, vm0, $0xb8;
	[tilespmem:$0x1EA00] =	vst v63  }
0x65: {  	v3 =	vld [tilespmem:$0x50];
	_ =	sdelay $0x4  }
0x66: {  	v61 =	vshll.u32 v3, $0x2  }
0x67: {  	v3 =	vand.u32 $0x7, v3;
	v4 =	vand.u32 $0xFFFFFFE0, v61  }
0x68: {  	v3 =	vor.u32 v3, v4  }
0x69: {  	v4 =	vperm.xlane v3, v0;
	_ =	sdelay $0x1  }
0x6a: {  	v4 =	vadd.s32 v1, v4;
	_ =	sdelay $0x1  }
0x6b: {  	v3 =	vperm.xlane v3, v2;
	_ =	sdelay $0x1  }
0x6c: {  	s25 =	simm.s32 $0xAA00;
	v3 =	vadd.s32 v1, v3  }
0x6d: {  	[tilespmem:s25], [sflag:$0x3] =	stream.indirect_vreg.gather [hbm4b:s2+s3], $0x80, v4, vm0, $0xb8;
	[tilespmem:$0x1EA00] =	vst v63  }
0x6e: {  	s26 =	simm.s32 $0xB200  }
0x6f: {  	[tilespmem:s26], [sflag:$0x3] =	stream.indirect_vreg.gather [hbm4b:s6+s3], $0x80, v4, vm0, $0xb8;
	[tilespmem:$0x1EA00] =	vst v63  }
0x70: {  	s28 =	simm.s32 $0xBA00  }
0x71: {  	[tilespmem:s28], [sflag:$0x3] =	stream.indirect_vreg.gather [hbm4b:s2+s3], $0x80, v3, vm0, $0xb8;
	[tilespmem:$0x1EA00] =	vst v63  }
0x72: {  	s29 =	simm.s32 $0xC200  }
0x73: {  	[tilespmem:s29], [sflag:$0x3] =	stream.indirect_vreg.gather [hbm4b:s6+s3], $0x80, v3, vm0, $0xb8;
	[tilespmem:$0x1EA00] =	vst v63  }
0x74: {  	v3 =	vld [tilespmem:$0x60];
	_ =	sdelay $0x4  }
0x75: {  	v62 =	vshll.u32 v3, $0x2  }
0x76: {  	v3 =	vand.u32 $0x7, v3;
	v4 =	vand.u32 $0xFFFFFFE0, v62  }
0x77: {  	v3 =	vor.u32 v3, v4  }
0x78: {  	v4 =	vperm.xlane v3, v0;
	_ =	sdelay $0x1  }
0x79: {  	v4 =	vadd.s32 v1, v4;
	_ =	sdelay $0x1  }
0x7a: {  	v3 =	vperm.xlane v3, v2;
	_ =	sdelay $0x1  }
0x7b: {  	s30 =	simm.s32 $0xCA00;
	v3 =	vadd.s32 v1, v3  }
0x7c: {  	[tilespmem:s30], [sflag:$0x3] =	stream.indirect_vreg.gather [hbm4b:s2+s3], $0x80, v4, vm0, $0xb8;
	[tilespmem:$0x1EA00] =	vst v63  }
0x7d: {  	s31 =	simm.s32 $0xD200  }
0x7e: {  	[tilespmem:s31], [sflag:$0x3] =	stream.indirect_vreg.gather [hbm4b:s6+s3], $0x80, v4, vm0, $0xb8;
	[tilespmem:$0x1EA00] =	vst v63  }
0x7f: {  	_ = 	snop  }
0x80: {  	[tilespmem:s13], [sflag:$0x3] =	stream.indirect_vreg.gather [hbm4b:s2+s3], $0x80, v3, vm0, $0xb8;
	[tilespmem:$0x1EA00] =	vst v63  }
0x81: {  	_ = 	snop  }
0x82: {  	[tilespmem:s14], [sflag:$0x3] =	stream.indirect_vreg.gather [hbm4b:s6+s3], $0x80, v3, vm0, $0xb8;
	[tilespmem:$0x1EA00] =	vst v63  }
0x83: {  	v3 =	vld.msk [tilespmem:$0x70], $0xff;
	_ =	sdelay $0x4  }
0x84: {  	v63 =	vshll.u32 v3, $0x2  }
0x85: {  	v3 =	vand.u32 $0x7, v3;
	v4 =	vand.u32 $0xFFFFFFE0, v63  }
0x86: {  	v3 =	vor.u32 v3, v4  }
0x87: {  	v3 =	vperm.xlane v3, v0;
	_ =	sdelay $0x1  }
0x88: {  	v3 =	vadd.s32 v1, v3;
	_ =	sdelay $0x4  }
0x89: {  	[tilespmem:s15], [sflag:$0x3] =	stream.indirect_vreg.gather [hbm4b:s2+s3], $0x80, v3, vm0, $0xb8;
	[tilespmem:$0x1EA00] =	vst v63  }
0x8a: {  	s24 =	simm.s32 $0xB0;
	s25 =	simm.s32 $0x0;
	s26 =	simm.s32 $0x8  }
0x8b: {  	[tilespmem:s16], [sflag:$0x3] =	stream.indirect_vreg.gather [hbm4b:s6+s3], $0x80, v3, vm0, $0xb8;
	[tilespmem:$0x1EA00] =	vst v63  }
.LBB2_2:
0x8c: {  	s0 =	sadd.s32 $0xFFFFFFFB, s26  }
0x8d: {  	p0 =	sge.u32 s0, s4  }
0x8e: {  	p1 =	seq.s32 @!p0 s26, $0x8  }
0x8f: {  	p1 =	por p1, p0  }
0x90: {  	s0 =	simm.s32 @!p1 $0xA  }
0x91: {  	_ =	swait.ge @!p1 [sflag:s0], $0x5000  }
0x92: {  	[sflag:s0] =	ssyncset.done @!p1 $0x0  }
0x93: {  	[sflag:s0] =	ssyncadd.s32 @!p1 $0xFFFFB000  }
0x94: {  	v3 =	vld @!p0 [tilespmem:s24+$0xFFFFFFC8];
	_ =	sdelay $0x4  }
0x95: {  	v4 =	vshll.u32 @!p0 v3, $0x2  }
0x96: {  	v5 =	vlaneseq.u32 @!p0;
	v3 =	vand.u32 @!p0 $0x7, v3;
	v4 =	vand.u32 @!p0 $0xFFFFFFE0, v4  }
0x97: {  	v6 =	vshrl.u32 @!p0 v5, $0x3;
	v3 =	vor.u32 @!p0 v3, v4;
	v4 =	vand.u32 @!p0 $0x7, v5  }
0x98: {  	v6 =	vmul.u32 @!p0 $0x8, v6;
	v7 =	vperm.xlane @!p0 v3, v4;
	_ =	sdelay $0x1  }
0x99: {  	v7 =	vadd.s32 @!p0 v6, v7  }
0x9a: {  	v5 =	vor.u32 @!p0 $0x8, v5  }
0x9b: {  	v3 =	vperm.xlane @!p0 v3, v5;
	_ =	sdelay $0x1  }
0x9c: {  	vm1 =	vmmov @!p0 $0xffff;
	s28 =	simm.s32 @!p0 $0x0;
	s29 =	simm.s32 @!p0 $0xFA00;
	v3 =	vadd.s32 @!p0 v6, v3  }
0x9d: {  	[tilespmem:s29], [sflag:$0x4] =	stream.indirect_vreg.gather @!p0 [hbm4b:s2+s28], $0x80, v7, vm1, $0xb8;
	[tilespmem:$0x1EA00] =	vst v63  }
0x9e: {  	s0 =	simm.s32 @!p0 $0x10200  }
0x9f: {  	[tilespmem:s0], [sflag:$0x4] =	stream.indirect_vreg.gather @!p0 [hbm4b:s6+s28], $0x80, v7, vm1, $0xb8;
	[tilespmem:$0x1EA00] =	vst v63  }
0xa0: {  	s0 =	simm.s32 @!p0 $0x10A00  }
0xa1: {  	[tilespmem:s0], [sflag:$0x4] =	stream.indirect_vreg.gather @!p0 [hbm4b:s2+s28], $0x80, v3, vm1, $0xb8;
	[tilespmem:$0x1EA00] =	vst v63  }
0xa2: {  	s0 =	simm.s32 @!p0 $0x11200  }
0xa3: {  	[tilespmem:s0], [sflag:$0x4] =	stream.indirect_vreg.gather @!p0 [hbm4b:s6+s28], $0x80, v3, vm1, $0xb8;
	[tilespmem:$0x1EA00] =	vst v63  }
0xa4: {  	v3 =	vld @!p0 [tilespmem:s24+$0xFFFFFFD8];
	_ =	sdelay $0x4  }
0xa5: {  	v7 =	vshll.u32 @!p0 v3, $0x2  }
0xa6: {  	v3 =	vand.u32 @!p0 $0x7, v3;
	v7 =	vand.u32 @!p0 $0xFFFFFFE0, v7  }
0xa7: {  	v3 =	vor.u32 @!p0 v3, v7  }
0xa8: {  	v7 =	vperm.xlane @!p0 v3, v4;
	_ =	sdelay $0x1  }
0xa9: {  	v7 =	vadd.s32 @!p0 v6, v7;
	_ =	sdelay $0x1  }
0xaa: {  	v3 =	vperm.xlane @!p0 v3, v5;
	_ =	sdelay $0x1  }
0xab: {  	s0 =	simm.s32 @!p0 $0x11A00;
	v3 =	vadd.s32 @!p0 v6, v3  }
0xac: {  	[tilespmem:s0], [sflag:$0x4] =	stream.indirect_vreg.gather @!p0 [hbm4b:s2+s28], $0x80, v7, vm1, $0xb8;
	[tilespmem:$0x1EA00] =	vst v63  }
0xad: {  	s0 =	simm.s32 @!p0 $0x12200  }
0xae: {  	[tilespmem:s0], [sflag:$0x4] =	stream.indirect_vreg.gather @!p0 [hbm4b:s6+s28], $0x80, v7, vm1, $0xb8;
	[tilespmem:$0x1EA00] =	vst v63  }
0xaf: {  	s0 =	simm.s32 @!p0 $0x12A00  }
0xb0: {  	[tilespmem:s0], [sflag:$0x4] =	stream.indirect_vreg.gather @!p0 [hbm4b:s2+s28], $0x80, v3, vm1, $0xb8;
	[tilespmem:$0x1EA00] =	vst v63  }
0xb1: {  	s0 =	simm.s32 @!p0 $0x13200  }
0xb2: {  	[tilespmem:s0], [sflag:$0x4] =	stream.indirect_vreg.gather @!p0 [hbm4b:s6+s28], $0x80, v3, vm1, $0xb8;
	[tilespmem:$0x1EA00] =	vst v63  }
0xb3: {  	v3 =	vld.msk @!p0 [tilespmem:s24+$0xFFFFFFE8], $0xff;
	_ =	sdelay $0x4  }
0xb4: {  	v5 =	vshll.u32 @!p0 v3, $0x2  }
0xb5: {  	v3 =	vand.u32 @!p0 $0x7, v3;
	v5 =	vand.u32 @!p0 $0xFFFFFFE0, v5  }
0xb6: {  	v3 =	vor.u32 @!p0 v3, v5  }
0xb7: {  	v3 =	vperm.xlane @!p0 v3, v4;
	_ =	sdelay $0x1  }
0xb8: {  	v3 =	vadd.s32 @!p0 v6, v3;
	_ =	sdelay $0x2  }
0xb9: {  	s31 =	sadd.s32 $0xFFFFFFF8, s26  }
0xba: {  	p1 =	sge.u32 s31, s4;
	s0 =	simm.s32 @!p0 $0x13A00  }
0xbb: {  	[tilespmem:s0], [sflag:$0x4] =	stream.indirect_vreg.gather @!p0 [hbm4b:s2+s28], $0x80, v3, vm1, $0xb8;
	[tilespmem:$0x1EA00] =	vst v63  }
0xbc: {  	s1 =	simm.s32 @!p0 $0x14200;
	s0 =	simm.s32 @!p1 $0x1  }
0xbd: {  	[tilespmem:s1], [sflag:$0x4] =	stream.indirect_vreg.gather @!p0 [hbm4b:s6+s28], $0x80, v3, vm1, $0xb8;
	[tilespmem:$0x1EA00] =	vst v63  }
0xbe: {  	_ =	swait.ge @!p1 [sflag:s0], $0x5000  }
0xbf: {  	s30 =	simm.s32 @!p1 $0xA00;
	[sflag:s0] =	ssyncset.done @!p1 $0x0  }
0xc0: {  	s1 =	simm.s32 @!p1 $0x0;
	[sflag:s0] =	ssyncadd.s32 @!p1 $0xFFFFB000;
	s0 =	sadd.s32 @!p1 s25, s8  }
0xc1: {  	[hbm4b:s0+s1] =	stream.linear.scatter @!p1 [tilespmem:s30], [sflag:$0x7], $0x5000, $0x38;
	[tilespmem:$0x1EA00] =	vst v63  }
0xc2: {  	s1 =	sadd.s32 $0xFFFFFFFC, s26  }
0xc3: {  	p1 =	sge.u32 s1, s4  }
0xc4: {  	p2 =	seq.s32 @!p1 s26, $0x8  }
0xc5: {  	p2 =	por p2, p1  }
0xc6: {  	s0 =	simm.s32 @!p2 $0xB  }
0xc7: {  	_ =	swait.ge @!p2 [sflag:s0], $0x5000  }
0xc8: {  	[sflag:s0] =	ssyncset.done @!p2 $0x0  }
0xc9: {  	[sflag:s0] =	ssyncadd.s32 @!p2 $0xFFFFB000  }
0xca: {  	v3 =	vld @!p1 [tilespmem:s24+$0xFFFFFFF0];
	_ =	sdelay $0x4  }
0xcb: {  	v4 =	vshll.u32 @!p1 v3, $0x2  }
0xcc: {  	v5 =	vlaneseq.u32 @!p1;
	v3 =	vand.u32 @!p1 $0x7, v3;
	v4 =	vand.u32 @!p1 $0xFFFFFFE0, v4  }
0xcd: {  	v6 =	vshrl.u32 @!p1 v5, $0x3;
	v3 =	vor.u32 @!p1 v3, v4;
	v4 =	vand.u32 @!p1 $0x7, v5  }
0xce: {  	v6 =	vmul.u32 @!p1 $0x8, v6;
	v7 =	vperm.xlane @!p1 v3, v4;
	_ =	sdelay $0x1  }
0xcf: {  	v7 =	vadd.s32 @!p1 v6, v7  }
0xd0: {  	v5 =	vor.u32 @!p1 $0x8, v5  }
0xd1: {  	v3 =	vperm.xlane @!p1 v3, v5;
	_ =	sdelay $0x1  }
0xd2: {  	vm1 =	vmmov @!p1 $0xffff;
	s30 =	simm.s32 @!p1 $0x0;
	s31 =	simm.s32 @!p1 $0x14A00;
	v3 =	vadd.s32 @!p1 v6, v3  }
0xd3: {  	[tilespmem:s31], [sflag:$0x5] =	stream.indirect_vreg.gather @!p1 [hbm4b:s2+s30], $0x80, v7, vm1, $0xb8;
	[tilespmem:$0x1EA00] =	vst v63  }
0xd4: {  	s0 =	simm.s32 @!p1 $0x15200  }
0xd5: {  	[tilespmem:s0], [sflag:$0x5] =	stream.indirect_vreg.gather @!p1 [hbm4b:s6+s30], $0x80, v7, vm1, $0xb8;
	[tilespmem:$0x1EA00] =	vst v63  }
0xd6: {  	s0 =	simm.s32 @!p1 $0x15A00  }
0xd7: {  	[tilespmem:s0], [sflag:$0x5] =	stream.indirect_vreg.gather @!p1 [hbm4b:s2+s30], $0x80, v3, vm1, $0xb8;
	[tilespmem:$0x1EA00] =	vst v63  }
0xd8: {  	s0 =	simm.s32 @!p1 $0x16200  }
0xd9: {  	[tilespmem:s0], [sflag:$0x5] =	stream.indirect_vreg.gather @!p1 [hbm4b:s6+s30], $0x80, v3, vm1, $0xb8;
	[tilespmem:$0x1EA00] =	vst v63  }
0xda: {  	v3 =	vld @!p1 [tilespmem:s24+$0x0];
	_ =	sdelay $0x4  }
0xdb: {  	v7 =	vshll.u32 @!p1 v3, $0x2  }
0xdc: {  	v3 =	vand.u32 @!p1 $0x7, v3;
	v7 =	vand.u32 @!p1 $0xFFFFFFE0, v7  }
0xdd: {  	v3 =	vor.u32 @!p1 v3, v7  }
0xde: {  	v7 =	vperm.xlane @!p1 v3, v4;
	_ =	sdelay $0x1  }
0xdf: {  	v7 =	vadd.s32 @!p1 v6, v7;
	_ =	sdelay $0x1  }
0xe0: {  	v3 =	vperm.xlane @!p1 v3, v5;
	_ =	sdelay $0x1  }
0xe1: {  	s0 =	simm.s32 @!p1 $0x16A00;
	v3 =	vadd.s32 @!p1 v6, v3  }
0xe2: {  	[tilespmem:s0], [sflag:$0x5] =	stream.indirect_vreg.gather @!p1 [hbm4b:s2+s30], $0x80, v7, vm1, $0xb8;
	[tilespmem:$0x1EA00] =	vst v63  }
0xe3: {  	s0 =	simm.s32 @!p1 $0x17200  }
0xe4: {  	[tilespmem:s0], [sflag:$0x5] =	stream.indirect_vreg.gather @!p1 [hbm4b:s6+s30], $0x80, v7, vm1, $0xb8;
	[tilespmem:$0x1EA00] =	vst v63  }
0xe5: {  	s0 =	simm.s32 @!p1 $0x17A00  }
0xe6: {  	[tilespmem:s0], [sflag:$0x5] =	stream.indirect_vreg.gather @!p1 [hbm4b:s2+s30], $0x80, v3, vm1, $0xb8;
	[tilespmem:$0x1EA00] =	vst v63  }
0xe7: {  	s0 =	simm.s32 @!p1 $0x18200  }
0xe8: {  	[tilespmem:s0], [sflag:$0x5] =	stream.indirect_vreg.gather @!p1 [hbm4b:s6+s30], $0x80, v3, vm1, $0xb8;
	[tilespmem:$0x1EA00] =	vst v63  }
0xe9: {  	v3 =	vld.msk @!p1 [tilespmem:s24+$0x10], $0xff;
	_ =	sdelay $0x4  }
0xea: {  	v5 =	vshll.u32 @!p1 v3, $0x2  }
0xeb: {  	v3 =	vand.u32 @!p1 $0x7, v3;
	v5 =	vand.u32 @!p1 $0xFFFFFFE0, v5  }
0xec: {  	v3 =	vor.u32 @!p1 v3, v5  }
0xed: {  	v3 =	vperm.xlane @!p1 v3, v4;
	_ =	sdelay $0x1  }
0xee: {  	v3 =	vadd.s32 @!p1 v6, v3;
	_ =	sdelay $0x2  }
0xef: {  	s10 =	sadd.s32 $0xFFFFFFF9, s26  }
0xf0: {  	p2 =	sge.u32 s10, s4;
	s0 =	simm.s32 @!p1 $0x18A00  }
0xf1: {  	[tilespmem:s0], [sflag:$0x5] =	stream.indirect_vreg.gather @!p1 [hbm4b:s2+s30], $0x80, v3, vm1, $0xb8;
	[tilespmem:$0x1EA00] =	vst v63  }
0xf2: {  	s1 =	simm.s32 @!p1 $0x19200;
	s0 =	simm.s32 @!p2 $0x2  }
0xf3: {  	[tilespmem:s1], [sflag:$0x5] =	stream.indirect_vreg.gather @!p1 [hbm4b:s6+s30], $0x80, v3, vm1, $0xb8;
	[tilespmem:$0x1EA00] =	vst v63  }
0xf4: {  	_ =	swait.ge @!p2 [sflag:s0], $0x5000  }
0xf5: {  	[sflag:s0] =	ssyncset.done @!p2 $0x0  }
0xf6: {  	s11 =	sadd.s32 $0xFFFFFFFD, s26;
	[sflag:s0] =	ssyncadd.s32 @!p2 $0xFFFFB000;
	s0 =	sadd.s32 @!p2 s25, s8  }
0xf7: {  	s10 =	simm.s32 @!p2 $0x5A00;
	s1 =	simm.s32 @!p2 $0x0;
	s0 =	sadd.s32 @!p2 $0xA00, s0  }
0xf8: {  	[hbm4b:s0+s1] =	stream.linear.scatter @!p2 [tilespmem:s10], [sflag:$0x8], $0x5000, $0x38;
	[tilespmem:$0x1EA00] =	vst v63  }
0xf9: {  	p2 =	sge.u32 s11, s4  }
0xfa: {  	p3 =	seq.s32 @!p2 s26, $0x8  }
0xfb: {  	p3 =	por p3, p2  }
0xfc: {  	s0 =	simm.s32 @!p3 $0xC  }
0xfd: {  	_ =	swait.ge @!p3 [sflag:s0], $0x5000  }
0xfe: {  	[sflag:s0] =	ssyncset.done @!p3 $0x0  }
0xff: {  	[sflag:s0] =	ssyncadd.s32 @!p3 $0xFFFFB000  }
0x100: {  	v3 =	vld @!p2 [tilespmem:s24+$0x18];
	_ =	sdelay $0x4  }
0x101: {  	v4 =	vshll.u32 @!p2 v3, $0x2  }
0x102: {  	v5 =	vlaneseq.u32 @!p2;
	v3 =	vand.u32 @!p2 $0x7, v3;
	v4 =	vand.u32 @!p2 $0xFFFFFFE0, v4  }
0x103: {  	v6 =	vshrl.u32 @!p2 v5, $0x3;
	v3 =	vor.u32 @!p2 v3, v4;
	v4 =	vand.u32 @!p2 $0x7, v5  }
0x104: {  	v6 =	vmul.u32 @!p2 $0x8, v6;
	v7 =	vperm.xlane @!p2 v3, v4;
	_ =	sdelay $0x1  }
0x105: {  	v7 =	vadd.s32 @!p2 v6, v7  }
0x106: {  	v5 =	vor.u32 @!p2 $0x8, v5  }
0x107: {  	v3 =	vperm.xlane @!p2 v3, v5;
	_ =	sdelay $0x1  }
0x108: {  	vm1 =	vmmov @!p2 $0xffff;
	s1 =	simm.s32 @!p2 $0x0;
	s0 =	simm.s32 @!p2 $0x19A00;
	v3 =	vadd.s32 @!p2 v6, v3  }
0x109: {  	[tilespmem:s0], [sflag:$0x6] =	stream.indirect_vreg.gather @!p2 [hbm4b:s2+s1], $0x80, v7, vm1, $0xb8;
	[tilespmem:$0x1EA00] =	vst v63  }
0x10a: {  	s10 =	simm.s32 @!p2 $0x1A200  }
0x10b: {  	[tilespmem:s10], [sflag:$0x6] =	stream.indirect_vreg.gather @!p2 [hbm4b:s6+s1], $0x80, v7, vm1, $0xb8;
	[tilespmem:$0x1EA00] =	vst v63  }
0x10c: {  	s10 =	simm.s32 @!p2 $0x1AA00  }
0x10d: {  	[tilespmem:s10], [sflag:$0x6] =	stream.indirect_vreg.gather @!p2 [hbm4b:s2+s1], $0x80, v3, vm1, $0xb8;
	[tilespmem:$0x1EA00] =	vst v63  }
0x10e: {  	s10 =	simm.s32 @!p2 $0x1B200  }
0x10f: {  	[tilespmem:s10], [sflag:$0x6] =	stream.indirect_vreg.gather @!p2 [hbm4b:s6+s1], $0x80, v3, vm1, $0xb8;
	[tilespmem:$0x1EA00] =	vst v63  }
0x110: {  	v3 =	vld @!p2 [tilespmem:s24+$0x28];
	_ =	sdelay $0x4  }
0x111: {  	v7 =	vshll.u32 @!p2 v3, $0x2  }
0x112: {  	v3 =	vand.u32 @!p2 $0x7, v3;
	v7 =	vand.u32 @!p2 $0xFFFFFFE0, v7  }
0x113: {  	v3 =	vor.u32 @!p2 v3, v7  }
0x114: {  	v7 =	vperm.xlane @!p2 v3, v4;
	_ =	sdelay $0x1  }
0x115: {  	v7 =	vadd.s32 @!p2 v6, v7;
	_ =	sdelay $0x1  }
0x116: {  	v3 =	vperm.xlane @!p2 v3, v5;
	_ =	sdelay $0x1  }
0x117: {  	s10 =	simm.s32 @!p2 $0x1BA00;
	v3 =	vadd.s32 @!p2 v6, v3  }
0x118: {  	[tilespmem:s10], [sflag:$0x6] =	stream.indirect_vreg.gather @!p2 [hbm4b:s2+s1], $0x80, v7, vm1, $0xb8;
	[tilespmem:$0x1EA00] =	vst v63  }
0x119: {  	s10 =	simm.s32 @!p2 $0x1C200  }
0x11a: {  	[tilespmem:s10], [sflag:$0x6] =	stream.indirect_vreg.gather @!p2 [hbm4b:s6+s1], $0x80, v7, vm1, $0xb8;
	[tilespmem:$0x1EA00] =	vst v63  }
0x11b: {  	s10 =	simm.s32 @!p2 $0x1CA00  }
0x11c: {  	[tilespmem:s10], [sflag:$0x6] =	stream.indirect_vreg.gather @!p2 [hbm4b:s2+s1], $0x80, v3, vm1, $0xb8;
	[tilespmem:$0x1EA00] =	vst v63  }
0x11d: {  	s10 =	simm.s32 @!p2 $0x1D200  }
0x11e: {  	[tilespmem:s10], [sflag:$0x6] =	stream.indirect_vreg.gather @!p2 [hbm4b:s6+s1], $0x80, v3, vm1, $0xb8;
	[tilespmem:$0x1EA00] =	vst v63  }
0x11f: {  	v3 =	vld.msk @!p2 [tilespmem:s24+$0x38], $0xff;
	_ =	sdelay $0x4  }
0x120: {  	v5 =	vshll.u32 @!p2 v3, $0x2  }
0x121: {  	v3 =	vand.u32 @!p2 $0x7, v3;
	v5 =	vand.u32 @!p2 $0xFFFFFFE0, v5  }
0x122: {  	v3 =	vor.u32 @!p2 v3, v5  }
0x123: {  	v3 =	vperm.xlane @!p2 v3, v4;
	_ =	sdelay $0x1  }
0x124: {  	v3 =	vadd.s32 @!p2 v6, v3;
	_ =	sdelay $0x2  }
0x125: {  	s12 =	sadd.s32 $0xFFFFFFFA, s26  }
0x126: {  	p3 =	sge.u32 s12, s4;
	s10 =	simm.s32 @!p2 $0x1DA00  }
0x127: {  	[tilespmem:s10], [sflag:$0x6] =	stream.indirect_vreg.gather @!p2 [hbm4b:s2+s1], $0x80, v3, vm1, $0xb8;
	[tilespmem:$0x1EA00] =	vst v63  }
0x128: {  	s11 =	simm.s32 @!p2 $0x1E200;
	s10 =	simm.s32 @!p3 $0x3  }
0x129: {  	[tilespmem:s11], [sflag:$0x6] =	stream.indirect_vreg.gather @!p2 [hbm4b:s6+s1], $0x80, v3, vm1, $0xb8;
	[tilespmem:$0x1EA00] =	vst v63  }
0x12a: {  	_ =	swait.ge @!p3 [sflag:s10], $0x5000  }
0x12b: {  	[sflag:s10] =	ssyncset.done @!p3 $0x0  }
0x12c: {  	[sflag:s10] =	ssyncadd.s32 @!p3 $0xFFFFB000;
	s10 =	sadd.s32 @!p3 s25, s8  }
0x12d: {  	s12 =	simm.s32 @!p3 $0xAA00;
	s11 =	simm.s32 @!p3 $0x0;
	s10 =	sadd.s32 @!p3 $0x1400, s10  }
0x12e: {  	[hbm4b:s10+s11] =	stream.linear.scatter @!p3 [tilespmem:s12], [sflag:$0x9], $0x5000, $0x38;
	[tilespmem:$0x1EA00] =	vst v63  }
0x12f: {  	s12 =	sadd.s32 $0xFFFFFFFE, s26  }
0x130: {  	p3 =	sge.u32 s12, s4  }
0x131: {  	s10 =	simm.s32 @!p3 $0x7  }
0x132: {  	_ =	swait.ge @!p3 [sflag:s10], $0x5000  }
0x133: {  	[sflag:s10] =	ssyncset.done @!p3 $0x0  }
0x134: {  	[sflag:s10] =	ssyncadd.s32 @!p3 $0xFFFFB000  }
0x135: {  	v3 =	vld @!p3 [tilespmem:s24+$0x40];
	_ =	sdelay $0x4  }
0x136: {  	v4 =	vshll.u32 @!p3 v3, $0x2  }
0x137: {  	v5 =	vlaneseq.u32 @!p3;
	v3 =	vand.u32 @!p3 $0x7, v3;
	v4 =	vand.u32 @!p3 $0xFFFFFFE0, v4  }
0x138: {  	v6 =	vshrl.u32 @!p3 v5, $0x3;
	v3 =	vor.u32 @!p3 v3, v4;
	v4 =	vand.u32 @!p3 $0x7, v5  }
0x139: {  	v6 =	vmul.u32 @!p3 $0x8, v6;
	v7 =	vperm.xlane @!p3 v3, v4;
	_ =	sdelay $0x1  }
0x13a: {  	v7 =	vadd.s32 @!p3 v6, v7  }
0x13b: {  	v5 =	vor.u32 @!p3 $0x8, v5  }
0x13c: {  	v3 =	vperm.xlane @!p3 v3, v5;
	_ =	sdelay $0x1  }
0x13d: {  	vm1 =	vmmov @!p3 $0xffff;
	s11 =	simm.s32 @!p3 $0xA00;
	s10 =	simm.s32 @!p3 $0x0;
	v3 =	vadd.s32 @!p3 v6, v3  }
0x13e: {  	[tilespmem:s11], [sflag:$0x1] =	stream.indirect_vreg.gather @!p3 [hbm4b:s2+s10], $0x80, v7, vm1, $0xb8;
	[tilespmem:$0x1EA00] =	vst v63  }
0x13f: {  	s11 =	simm.s32 @!p3 $0x1200  }
0x140: {  	[tilespmem:s11], [sflag:$0x1] =	stream.indirect_vreg.gather @!p3 [hbm4b:s6+s10], $0x80, v7, vm1, $0xb8;
	[tilespmem:$0x1EA00] =	vst v63  }
0x141: {  	s11 =	simm.s32 @!p3 $0x1A00  }
0x142: {  	[tilespmem:s11], [sflag:$0x1] =	stream.indirect_vreg.gather @!p3 [hbm4b:s2+s10], $0x80, v3, vm1, $0xb8;
	[tilespmem:$0x1EA00] =	vst v63  }
0x143: {  	s11 =	simm.s32 @!p3 $0x2200  }
0x144: {  	[tilespmem:s11], [sflag:$0x1] =	stream.indirect_vreg.gather @!p3 [hbm4b:s6+s10], $0x80, v3, vm1, $0xb8;
	[tilespmem:$0x1EA00] =	vst v63  }
0x145: {  	v3 =	vld @!p3 [tilespmem:s24+$0x50];
	_ =	sdelay $0x4  }
0x146: {  	v7 =	vshll.u32 @!p3 v3, $0x2  }
0x147: {  	v3 =	vand.u32 @!p3 $0x7, v3;
	v7 =	vand.u32 @!p3 $0xFFFFFFE0, v7  }
0x148: {  	v3 =	vor.u32 @!p3 v3, v7  }
0x149: {  	v7 =	vperm.xlane @!p3 v3, v4;
	_ =	sdelay $0x1  }
0x14a: {  	v7 =	vadd.s32 @!p3 v6, v7;
	_ =	sdelay $0x1  }
0x14b: {  	v3 =	vperm.xlane @!p3 v3, v5;
	_ =	sdelay $0x1  }
0x14c: {  	s11 =	simm.s32 @!p3 $0x2A00;
	v3 =	vadd.s32 @!p3 v6, v3  }
0x14d: {  	[tilespmem:s11], [sflag:$0x1] =	stream.indirect_vreg.gather @!p3 [hbm4b:s2+s10], $0x80, v7, vm1, $0xb8;
	[tilespmem:$0x1EA00] =	vst v63  }
0x14e: {  	s11 =	simm.s32 @!p3 $0x3200  }
0x14f: {  	[tilespmem:s11], [sflag:$0x1] =	stream.indirect_vreg.gather @!p3 [hbm4b:s6+s10], $0x80, v7, vm1, $0xb8;
	[tilespmem:$0x1EA00] =	vst v63  }
0x150: {  	s11 =	simm.s32 @!p3 $0x3A00  }
0x151: {  	[tilespmem:s11], [sflag:$0x1] =	stream.indirect_vreg.gather @!p3 [hbm4b:s2+s10], $0x80, v3, vm1, $0xb8;
	[tilespmem:$0x1EA00] =	vst v63  }
0x152: {  	s11 =	simm.s32 @!p3 $0x4200  }
0x153: {  	[tilespmem:s11], [sflag:$0x1] =	stream.indirect_vreg.gather @!p3 [hbm4b:s6+s10], $0x80, v3, vm1, $0xb8;
	[tilespmem:$0x1EA00] =	vst v63  }
0x154: {  	v3 =	vld.msk @!p3 [tilespmem:s24+$0x60], $0xff;
	_ =	sdelay $0x4  }
0x155: {  	v5 =	vshll.u32 @!p3 v3, $0x2  }
0x156: {  	v3 =	vand.u32 @!p3 $0x7, v3;
	v5 =	vand.u32 @!p3 $0xFFFFFFE0, v5  }
0x157: {  	v3 =	vor.u32 @!p3 v3, v5  }
0x158: {  	v3 =	vperm.xlane @!p3 v3, v4;
	_ =	sdelay $0x1  }
0x159: {  	v3 =	vadd.s32 @!p3 v6, v3;
	_ =	sdelay $0x3  }
0x15a: {  	s11 =	simm.s32 @!p3 $0x4A00  }
0x15b: {  	[tilespmem:s11], [sflag:$0x1] =	stream.indirect_vreg.gather @!p3 [hbm4b:s2+s10], $0x80, v3, vm1, $0xb8;
	[tilespmem:$0x1EA00] =	vst v63  }
0x15c: {  	s11 =	simm.s32 @!p3 $0x5200  }
0x15d: {  	[tilespmem:s11], [sflag:$0x1] =	stream.indirect_vreg.gather @!p3 [hbm4b:s6+s10], $0x80, v3, vm1, $0xb8;
	[tilespmem:$0x1EA00] =	vst v63  }
0x15e: {  	s10 =	simm.s32 @!p0 $0x4  }
0x15f: {  	_ =	swait.ge @!p0 [sflag:s10], $0x5000  }
0x160: {  	s11 =	sadd.s32 @!p0 s25, s8;
	[sflag:s10] =	ssyncset.done @!p0 $0x0  }
0x161: {  	[sflag:s10] =	ssyncadd.s32 @!p0 $0xFFFFB000;
	s10 =	sadd.s32 @!p0 $0x1E00, s11  }
0x162: {  	[hbm4b:s10+s28] =	stream.linear.scatter @!p0 [tilespmem:s29], [sflag:$0xA], $0x5000, $0x38;
	[tilespmem:$0x1EA00] =	vst v63  }
0x163: {  	s29 =	sadd.s32 $0xFFFFFFFF, s26  }
0x164: {  	p0 =	sge.u32 s29, s4  }
0x165: {  	s10 =	simm.s32 @!p0 $0x8  }
0x166: {  	_ =	swait.ge @!p0 [sflag:s10], $0x5000  }
0x167: {  	[sflag:s10] =	ssyncset.done @!p0 $0x0  }
0x168: {  	[sflag:s10] =	ssyncadd.s32 @!p0 $0xFFFFB000  }
0x169: {  	v3 =	vld @!p0 [tilespmem:s24+$0x68];
	_ =	sdelay $0x4  }
0x16a: {  	v4 =	vshll.u32 @!p0 v3, $0x2  }
0x16b: {  	v5 =	vlaneseq.u32 @!p0;
	v3 =	vand.u32 @!p0 $0x7, v3;
	v4 =	vand.u32 @!p0 $0xFFFFFFE0, v4  }
0x16c: {  	v6 =	vshrl.u32 @!p0 v5, $0x3;
	v3 =	vor.u32 @!p0 v3, v4;
	v4 =	vand.u32 @!p0 $0x7, v5  }
0x16d: {  	v6 =	vmul.u32 @!p0 $0x8, v6;
	v7 =	vperm.xlane @!p0 v3, v4;
	_ =	sdelay $0x1  }
0x16e: {  	v7 =	vadd.s32 @!p0 v6, v7  }
0x16f: {  	v5 =	vor.u32 @!p0 $0x8, v5  }
0x170: {  	v3 =	vperm.xlane @!p0 v3, v5;
	_ =	sdelay $0x1  }
0x171: {  	vm1 =	vmmov @!p0 $0xffff;
	s11 =	simm.s32 @!p0 $0x5A00;
	s10 =	simm.s32 @!p0 $0x0;
	v3 =	vadd.s32 @!p0 v6, v3  }
0x172: {  	[tilespmem:s11], [sflag:$0x2] =	stream.indirect_vreg.gather @!p0 [hbm4b:s2+s10], $0x80, v7, vm1, $0xb8;
	[tilespmem:$0x1EA00] =	vst v63  }
0x173: {  	s11 =	simm.s32 @!p0 $0x6200  }
0x174: {  	[tilespmem:s11], [sflag:$0x2] =	stream.indirect_vreg.gather @!p0 [hbm4b:s6+s10], $0x80, v7, vm1, $0xb8;
	[tilespmem:$0x1EA00] =	vst v63  }
0x175: {  	s11 =	simm.s32 @!p0 $0x6A00  }
0x176: {  	[tilespmem:s11], [sflag:$0x2] =	stream.indirect_vreg.gather @!p0 [hbm4b:s2+s10], $0x80, v3, vm1, $0xb8;
	[tilespmem:$0x1EA00] =	vst v63  }
0x177: {  	s11 =	simm.s32 @!p0 $0x7200  }
0x178: {  	[tilespmem:s11], [sflag:$0x2] =	stream.indirect_vreg.gather @!p0 [hbm4b:s6+s10], $0x80, v3, vm1, $0xb8;
	[tilespmem:$0x1EA00] =	vst v63  }
0x179: {  	v3 =	vld @!p0 [tilespmem:s24+$0x78];
	_ =	sdelay $0x4  }
0x17a: {  	v7 =	vshll.u32 @!p0 v3, $0x2  }
0x17b: {  	v3 =	vand.u32 @!p0 $0x7, v3;
	v7 =	vand.u32 @!p0 $0xFFFFFFE0, v7  }
0x17c: {  	v3 =	vor.u32 @!p0 v3, v7  }
0x17d: {  	v7 =	vperm.xlane @!p0 v3, v4;
	_ =	sdelay $0x1  }
0x17e: {  	v7 =	vadd.s32 @!p0 v6, v7;
	_ =	sdelay $0x1  }
0x17f: {  	v3 =	vperm.xlane @!p0 v3, v5;
	_ =	sdelay $0x1  }
0x180: {  	s11 =	simm.s32 @!p0 $0x7A00;
	v3 =	vadd.s32 @!p0 v6, v3  }
0x181: {  	[tilespmem:s11], [sflag:$0x2] =	stream.indirect_vreg.gather @!p0 [hbm4b:s2+s10], $0x80, v7, vm1, $0xb8;
	[tilespmem:$0x1EA00] =	vst v63  }
0x182: {  	s11 =	simm.s32 @!p0 $0x8200  }
0x183: {  	[tilespmem:s11], [sflag:$0x2] =	stream.indirect_vreg.gather @!p0 [hbm4b:s6+s10], $0x80, v7, vm1, $0xb8;
	[tilespmem:$0x1EA00] =	vst v63  }
0x184: {  	s11 =	simm.s32 @!p0 $0x8A00  }
0x185: {  	[tilespmem:s11], [sflag:$0x2] =	stream.indirect_vreg.gather @!p0 [hbm4b:s2+s10], $0x80, v3, vm1, $0xb8;
	[tilespmem:$0x1EA00] =	vst v63  }
0x186: {  	s11 =	simm.s32 @!p0 $0x9200  }
0x187: {  	[tilespmem:s11], [sflag:$0x2] =	stream.indirect_vreg.gather @!p0 [hbm4b:s6+s10], $0x80, v3, vm1, $0xb8;
	[tilespmem:$0x1EA00] =	vst v63  }
0x188: {  	v3 =	vld.msk @!p0 [tilespmem:s24+$0x88], $0xff;
	_ =	sdelay $0x4  }
0x189: {  	v5 =	vshll.u32 @!p0 v3, $0x2  }
0x18a: {  	v3 =	vand.u32 @!p0 $0x7, v3;
	v5 =	vand.u32 @!p0 $0xFFFFFFE0, v5  }
0x18b: {  	v3 =	vor.u32 @!p0 v3, v5  }
0x18c: {  	v3 =	vperm.xlane @!p0 v3, v4;
	_ =	sdelay $0x1  }
0x18d: {  	v3 =	vadd.s32 @!p0 v6, v3;
	_ =	sdelay $0x3  }
0x18e: {  	s11 =	simm.s32 @!p0 $0x9A00  }
0x18f: {  	[tilespmem:s11], [sflag:$0x2] =	stream.indirect_vreg.gather @!p0 [hbm4b:s2+s10], $0x80, v3, vm1, $0xb8;
	[tilespmem:$0x1EA00] =	vst v63  }
0x190: {  	s11 =	simm.s32 @!p0 $0xA200  }
0x191: {  	[tilespmem:s11], [sflag:$0x2] =	stream.indirect_vreg.gather @!p0 [hbm4b:s6+s10], $0x80, v3, vm1, $0xb8;
	[tilespmem:$0x1EA00] =	vst v63  }
0x192: {  	s10 =	simm.s32 @!p1 $0x5  }
0x193: {  	_ =	swait.ge @!p1 [sflag:s10], $0x5000  }
0x194: {  	s11 =	sadd.s32 @!p1 s25, s8;
	[sflag:s10] =	ssyncset.done @!p1 $0x0  }
0x195: {  	p0 =	sge.u32 s26, s4;
	[sflag:s10] =	ssyncadd.s32 @!p1 $0xFFFFB000;
	s10 =	sadd.s32 @!p1 $0x2800, s11  }
0x196: {  	[hbm4b:s10+s30] =	stream.linear.scatter @!p1 [tilespmem:s31], [sflag:$0xB], $0x5000, $0x38;
	[tilespmem:$0x1EA00] =	vst v63  }
0x197: {  	s10 =	simm.s32 @!p0 $0x9  }
0x198: {  	_ =	swait.ge @!p0 [sflag:s10], $0x5000  }
0x199: {  	[sflag:s10] =	ssyncset.done @!p0 $0x0  }
0x19a: {  	[sflag:s10] =	ssyncadd.s32 @!p0 $0xFFFFB000  }
0x19b: {  	v3 =	vld @!p0 [tilespmem:s24+$0x90];
	_ =	sdelay $0x4  }
0x19c: {  	v4 =	vshll.u32 @!p0 v3, $0x2  }
0x19d: {  	v5 =	vlaneseq.u32 @!p0;
	v3 =	vand.u32 @!p0 $0x7, v3;
	v4 =	vand.u32 @!p0 $0xFFFFFFE0, v4  }
0x19e: {  	v6 =	vshrl.u32 @!p0 v5, $0x3;
	v3 =	vor.u32 @!p0 v3, v4;
	v4 =	vand.u32 @!p0 $0x7, v5  }
0x19f: {  	v6 =	vmul.u32 @!p0 $0x8, v6;
	v7 =	vperm.xlane @!p0 v3, v4;
	_ =	sdelay $0x1  }
0x1a0: {  	v7 =	vadd.s32 @!p0 v6, v7  }
0x1a1: {  	v5 =	vor.u32 @!p0 $0x8, v5  }
0x1a2: {  	v3 =	vperm.xlane @!p0 v3, v5;
	_ =	sdelay $0x1  }
0x1a3: {  	vm1 =	vmmov @!p0 $0xffff;
	s11 =	simm.s32 @!p0 $0xAA00;
	s10 =	simm.s32 @!p0 $0x0;
	v3 =	vadd.s32 @!p0 v6, v3  }
0x1a4: {  	[tilespmem:s11], [sflag:$0x3] =	stream.indirect_vreg.gather @!p0 [hbm4b:s2+s10], $0x80, v7, vm1, $0xb8;
	[tilespmem:$0x1EA00] =	vst v63  }
0x1a5: {  	s11 =	simm.s32 @!p0 $0xB200  }
0x1a6: {  	[tilespmem:s11], [sflag:$0x3] =	stream.indirect_vreg.gather @!p0 [hbm4b:s6+s10], $0x80, v7, vm1, $0xb8;
	[tilespmem:$0x1EA00] =	vst v63  }
0x1a7: {  	s11 =	simm.s32 @!p0 $0xBA00  }
0x1a8: {  	[tilespmem:s11], [sflag:$0x3] =	stream.indirect_vreg.gather @!p0 [hbm4b:s2+s10], $0x80, v3, vm1, $0xb8;
	[tilespmem:$0x1EA00] =	vst v63  }
0x1a9: {  	s11 =	simm.s32 @!p0 $0xC200  }
0x1aa: {  	[tilespmem:s11], [sflag:$0x3] =	stream.indirect_vreg.gather @!p0 [hbm4b:s6+s10], $0x80, v3, vm1, $0xb8;
	[tilespmem:$0x1EA00] =	vst v63  }
0x1ab: {  	v3 =	vld @!p0 [tilespmem:s24+$0xA0];
	_ =	sdelay $0x4  }
0x1ac: {  	v7 =	vshll.u32 @!p0 v3, $0x2  }
0x1ad: {  	v3 =	vand.u32 @!p0 $0x7, v3;
	v7 =	vand.u32 @!p0 $0xFFFFFFE0, v7  }
0x1ae: {  	v3 =	vor.u32 @!p0 v3, v7  }
0x1af: {  	v7 =	vperm.xlane @!p0 v3, v4;
	_ =	sdelay $0x1  }
0x1b0: {  	v7 =	vadd.s32 @!p0 v6, v7;
	_ =	sdelay $0x1  }
0x1b1: {  	v3 =	vperm.xlane @!p0 v3, v5;
	_ =	sdelay $0x1  }
0x1b2: {  	s11 =	simm.s32 @!p0 $0xCA00;
	v3 =	vadd.s32 @!p0 v6, v3  }
0x1b3: {  	[tilespmem:s11], [sflag:$0x3] =	stream.indirect_vreg.gather @!p0 [hbm4b:s2+s10], $0x80, v7, vm1, $0xb8;
	[tilespmem:$0x1EA00] =	vst v63  }
0x1b4: {  	s11 =	simm.s32 @!p0 $0xD200  }
0x1b5: {  	[tilespmem:s11], [sflag:$0x3] =	stream.indirect_vreg.gather @!p0 [hbm4b:s6+s10], $0x80, v7, vm1, $0xb8;
	[tilespmem:$0x1EA00] =	vst v63  }
0x1b6: {  	s11 =	simm.s32 @!p0 $0xDA00  }
0x1b7: {  	[tilespmem:s11], [sflag:$0x3] =	stream.indirect_vreg.gather @!p0 [hbm4b:s2+s10], $0x80, v3, vm1, $0xb8;
	[tilespmem:$0x1EA00] =	vst v63  }
0x1b8: {  	s11 =	simm.s32 @!p0 $0xE200  }
0x1b9: {  	[tilespmem:s11], [sflag:$0x3] =	stream.indirect_vreg.gather @!p0 [hbm4b:s6+s10], $0x80, v3, vm1, $0xb8;
	[tilespmem:$0x1EA00] =	vst v63  }
0x1ba: {  	v3 =	vld.msk @!p0 [tilespmem:s24+$0xB0], $0xff;
	_ =	sdelay $0x4  }
0x1bb: {  	v5 =	vshll.u32 @!p0 v3, $0x2  }
0x1bc: {  	v3 =	vand.u32 @!p0 $0x7, v3;
	v5 =	vand.u32 @!p0 $0xFFFFFFE0, v5  }
0x1bd: {  	v3 =	vor.u32 @!p0 v3, v5  }
0x1be: {  	v3 =	vperm.xlane @!p0 v3, v4;
	_ =	sdelay $0x1  }
0x1bf: {  	v3 =	vadd.s32 @!p0 v6, v3;
	_ =	sdelay $0x3  }
0x1c0: {  	s11 =	simm.s32 @!p0 $0xEA00  }
0x1c1: {  	[tilespmem:s11], [sflag:$0x3] =	stream.indirect_vreg.gather @!p0 [hbm4b:s2+s10], $0x80, v3, vm1, $0xb8;
	[tilespmem:$0x1EA00] =	vst v63  }
0x1c2: {  	s26 =	sadd.s32 $0x6, s26;
	s11 =	simm.s32 @!p0 $0xF200  }
0x1c3: {  	[tilespmem:s11], [sflag:$0x3] =	stream.indirect_vreg.gather @!p0 [hbm4b:s6+s10], $0x80, v3, vm1, $0xb8;
	[tilespmem:$0x1EA00] =	vst v63  }
0x1c4: {  	p0 =	sne.s32 s26, $0x4A  }
.Ltmp0:
0x1c5: {  	s10 =	simm.s32 @!p2 $0x6;
	(pc) =	sbr.rel @p0 .LBB2_2-.Ltmp0, $4  }
0x1c6: {  	_ =	swait.ge @!p2 [sflag:s10], $0x5000  }
0x1c7: {  	s24 =	sadd.s32 $0xF0, s24;
	s11 =	sadd.s32 @!p2 s25, s8;
	[sflag:s10] =	ssyncset.done @!p2 $0x0  }
0x1c8: {  	s25 =	sadd.s32 $0x3C00, s25;
	[sflag:s10] =	ssyncadd.s32 @!p2 $0xFFFFB000;
	s10 =	sadd.s32 @!p2 $0x3200, s11  }
0x1c9: {  	[hbm4b:s10+s1] =	stream.linear.scatter @!p2 [tilespmem:s0], [sflag:$0xC], $0x5000, $0x38;
	[tilespmem:$0x1EA00] =	vst v63  }
0x1ca: {  	_ =	swait.ge [sflag:s17], $0x5000  }
0x1cb: {  	[sflag:s17] =	ssyncset.done $0x0  }
0x1cc: {  	[sflag:s17] =	ssyncadd.s32 $0xFFFFB000  }
0x1cd: {  	_ =	swait.ge [sflag:s18], $0x5000  }
0x1ce: {  	[sflag:s18] =	ssyncset.done $0x0  }
0x1cf: {  	[sflag:s18] =	ssyncadd.s32 $0xFFFFB000  }
0x1d0: {  	_ =	swait.ge [sflag:s19], $0x5000  }
0x1d1: {  	[sflag:s19] =	ssyncset.done $0x0  }
0x1d2: {  	[sflag:s19] =	ssyncadd.s32 $0xFFFFB000  }
0x1d3: {  	_ =	swait.ge [sflag:s20], $0x5000  }
0x1d4: {  	[sflag:s20] =	ssyncset.done $0x0  }
0x1d5: {  	s23 =	sadd.s32 $0x1, s23;
	[sflag:s20] =	ssyncadd.s32 $0xFFFFB000  }
0x1d6: {  	p0 =	sne.s32 s23, s7;
	_ =	swait.ge [sflag:s21], $0x5000  }
.Ltmp1:
0x1d7: {  	[sflag:s21] =	ssyncset.done $0x0;
	(pc) =	sbr.rel @p0 .LBB2_1-.Ltmp1, $4  }
0x1d8: {  	[sflag:s21] =	ssyncadd.s32 $0xFFFFB000  }
0x1d9: {  	_ =	swait.ge [sflag:s22], $0x5000  }
0x1da: {  	[sflag:s22] =	ssyncset.done $0x0  }
0x1db: {  	[sflag:s22] =	ssyncadd.s32 $0xFFFFB000  }
0x1dc: {  	_ =	sfence.sel $0x180000  }
0x1dd: {  	[bflag:$0x0] =	sbarrier.arrive $0xFFFF  }
0x1de: {  	_ =	strace $0x90000047  }
0x1df: {  	s0 =	stileid.u32;
	[bflag:$0x2] =	sbarrier.arrive $0xFFFF  }
0x1e0: {  	p0 =	sne.s32 s0, $0x0;
	s0 =	rddreg [dreg:$0x3]  }
0x1e1: {  	s0 =	sadd.s32 @!p0 $0x100000, s0  }
0x1e2: {  	[sflag:s0] =	ssyncadd.tile.s32 @!p0 $0x1;
	_ =	shalt  }
.Lfunc_end2:
_tile_overlayer_lowered:
.L_overlay_start_2:
0x1e3: {  	(tag) =	ssettag $0x2  }
0x1e4: {  	s0 =	rddreg [dreg:$0x0];
	s2 =	stileid.u32  }
0x1e5: {  	s1 =	rddreg [dreg:$0x1];
	p0 =	sne.s32 s2, $0x0  }
0x1e6: {  	s3 =	rddreg [dreg:$0x2];
	[bflag:$0x3] =	sbarrier.arrive $0xFFFF;
	s2 =	simm.s32 @!p0 $0x1C0D  }
0x1e7: {  	[timem:s3], [sflag:s2] =	dma.local @!p0 [hbm:s0], s1  }
0x1e8: {  	s0 =	simm.s32 @!p0 $0xD  }
0x1e9: {  	_ =	swait.ge @!p0 [sflag:s0], s1  }
0x1ea: {  	s1 =	ssub.s32 @!p0 $0x0, s1;
	[sflag:s0] =	ssyncset.done @!p0 $0x0  }
0x1eb: {  	[sflag:s0] =	ssyncadd.s32 @!p0 s1  }
0x1ec: {  	[bflag:$0x3] =	sbarrier.arrive $0xFFFF  }
0x1ed: {  	_ =	shalt  }

</sc_bundles>
